<compile_context>
chip_gen: v7x
topology: tpu7x:2x2x1
jax: 0.10.2.dev20260603
libtpu: 0.0.44.dev20260713+nightly
codegen_flags: <defaults>
</compile_context>

<pallas_src>
import functools

import jax
import jax.numpy as jnp
from jax import lax
from jax.experimental import pallas as pl
from jax.experimental.pallas import tpu as pltpu
from jax.experimental.pallas import tpu_sc as plsc

VOCAB = 1000000
EMBED_DIM = 32
BATCH = 16384
CTX = 20

SEG = 262144
BLKN = 16384
NSTEP = SEG // BLKN
PROWS = 4 * SEG

NW = 32
ROWS_PER_W = BATCH // NW
CHUNK = 64
NCHUNK = ROWS_PER_W // CHUNK
IDX_PER_CHUNK = CHUNK * CTX
GATHERS = IDX_PER_CHUNK // 128


def _tc_pack_body(t0, t1, t2, t3, out_ref):
    stacked = jnp.concatenate([t[...] for t in (t0, t1, t2, t3)], axis=0)
    out_ref[...] = stacked.T


@functools.lru_cache(maxsize=1)
def _tc_pack_call():
    last_blk = VOCAB // BLKN
    in_specs = [
        pl.BlockSpec(
            (EMBED_DIM, BLKN),
            functools.partial(lambda a, i: (0, jnp.minimum(NSTEP * a + i, last_blk)), a),
        )
        for a in range(4)
    ]
    return pl.pallas_call(
        _tc_pack_body,
        grid=(NSTEP,),
        in_specs=in_specs,
        out_specs=pl.BlockSpec((BLKN, 128), lambda i: (i, 0)),
        out_shape=jax.ShapeDtypeStruct((SEG, 128), jnp.float32),
    )


def _sc_cbow(idx_hbm, table_hbm, out_hbm, idx_v, rows_v, out_v, sem):
    nc = 2
    wid = lax.axis_index("s") * nc + lax.axis_index("c")
    base = wid * ROWS_PER_W
    inv_ctx = jnp.float32(1.0 / CTX)

    def chunk_body(c, _):
        pltpu.sync_copy(idx_hbm.at[wid, c], idx_v)
        copies = [
            pltpu.async_copy(
                table_hbm.at[idx_v.at[k]],
                rows_v.at[pl.ds(k * 128, 128)],
                sem,
            )
            for k in range(GATHERS)
        ]
        for cp in copies:
            cp.wait()

        def item_body(i, _):
            r0 = i * CTX
            acc0 = rows_v[r0, pl.ds(0, 16)]
            acc1 = rows_v[r0, pl.ds(16, 16)]
            for j in range(1, CTX):
                acc0 = acc0 + rows_v[r0 + j, pl.ds(0, 16)]
                acc1 = acc1 + rows_v[r0 + j, pl.ds(16, 16)]
            out_v[i, pl.ds(0, 16)] = acc0 * inv_ctx
            out_v[i, pl.ds(16, 16)] = acc1 * inv_ctx
            return 0

        lax.fori_loop(0, CHUNK, item_body, 0)
        pltpu.sync_copy(out_v, out_hbm.at[pl.ds(base + c * CHUNK, CHUNK)])
        return 0

    lax.fori_loop(0, NCHUNK, chunk_body, 0)


@functools.lru_cache(maxsize=1)
def _sc_call():
    return functools.partial(
        pl.kernel,
        mesh=plsc.VectorSubcoreMesh(core_axis_name="c", subcore_axis_name="s"),
        out_type=jax.ShapeDtypeStruct((BATCH, EMBED_DIM), jnp.float32),
        scratch_types=[
            pltpu.VMEM((GATHERS, 128), jnp.int32),
            pltpu.VMEM((IDX_PER_CHUNK, EMBED_DIM), jnp.float32),
            pltpu.VMEM((CHUNK, EMBED_DIM), jnp.float32),
            pltpu.SemaphoreType.DMA,
        ],
        compiler_params=pltpu.CompilerParams(use_tc_tiling_on_sc=False),
    )(_sc_cbow)


def kernel(inputs, table):
    idx = inputs.astype(jnp.int32)
    seg = idx // SEG
    g = idx * 4 - seg * (4 * SEG - 1)
    rows = g.reshape(NW, NCHUNK, GATHERS, 128)
    packed = _tc_pack_call()(table.T, table.T, table.T, table.T)
    packed_lin = packed.reshape(PROWS, EMBED_DIM)
    return _sc_call()(rows, packed_lin)

# --- scband reference (transcript-rebuilt; emitter-appended) ---
"""Pipeline reference for scband-cbowmodel-55705725829166 (READ-ONLY COPY).

The authoritative reference and input builder live on the scoring server;
editing this copy changes nothing except your own understanding.
"""

import jax, jax.numpy as jnp
import numpy as np

VOCAB = 1000000
EMBED_DIM = 32
BATCH = 16384
CTX = 20

def setup_inputs(seed: int = 0) -> dict:
    key = jax.random.key(seed)
    k_idx, k_tab = jax.random.split(key)
    inputs = jax.random.randint(k_idx, (BATCH, CTX), 0, VOCAB, dtype=jnp.int64)
    table = jax.random.normal(k_tab, (VOCAB, EMBED_DIM), dtype=jnp.float32) * 0.02
    return {"inputs": inputs, "table": table}

def reference(inputs, table):
    # Embedding lookup: [B, CTX] -> [B, CTX, D]
    x = jnp.take(table, inputs, axis=0)
    # CBOW: mean over the context axis -> [B, D]
    x = jnp.mean(x, axis=1)
    return x

if __name__ == "__main__":
    import jax
    _d = setup_inputs()
    print(jax.jit(kernel)(*tuple(_d.values())))

</pallas_src>

<mosaic_0001>
#map = affine_map<(d0, d1) -> (0, 0, 0, 0)>
#map1 = affine_map<(d0, d1) -> (0, 0)>
module attributes {stable_mosaic.version = 14 : i64} {
  func.func @_sc_cbow(%arg0: i32, %arg1: i32, %arg2: memref<32x8x10x128xi32, #tpu.memory_space<hbm>>, %arg3: memref<1048576x32xf32, #tpu.memory_space<hbm>>, %arg4: memref<16384x32xf32, #tpu.memory_space<hbm>>, %arg5: memref<10x128xi32, #tpu.memory_space<vmem>>, %arg6: memref<1280x32xf32, #tpu.memory_space<vmem>>, %arg7: memref<64x32xf32, #tpu.memory_space<vmem>>, %arg8: memref<!tpu.dma_semaphore, #tpu.memory_space<semaphore_mem>>) attributes {dimension_semantics = [#tpu.dimension_semantics<core_parallel>, #tpu.dimension_semantics<subcore_parallel>], iteration_bounds = array<i64: 2, 16>, scalar_prefetch = 0 : i64, scratch_operands = 4 : i64, tpu.core_type = #tpu.core_type<sc_vector_subcore>, window_params = [{transform_indices = #map}, {transform_indices = #map1}, {transform_indices = #map1}]} {
    %mul3A = arith.constant 2 : i32
    %mul3A_0 = arith.muli %arg1, %mul3A : i32
    %add3A = arith.addi %mul3A_0, %arg0 : i32
    %mul3A_1 = arith.constant 512 : i32
    %mul3A_2 = arith.muli %add3A, %mul3A_1 : i32
    %scan3A = arith.constant 5.000000e-02 : f32
    %scan3A_3 = arith.constant 0 : i32
    %scan3A_4 = arith.constant 0 : i32
    %scan3A_5 = arith.constant 8 : i32
    %scan3A_6 = arith.addi %scan3A_4, %scan3A_5 : i32
    %scan3A_7 = arith.constant 1 : i32
    %scan3A_8 = scf.for %scan3A_10 = %scan3A_4 to %scan3A_6 step %scan3A_7 iter_args(%scan3A_11 = %scan3A_3) -> (i32)  : i32 {
      "tpu.region"() ({
        %run_scoped3A = tpu.sem_alloc : memref<!tpu.dma_semaphore, #tpu.memory_space<semaphore_mem>>
        %dma_start3A_221 = arith.constant 0 : i32
        %dma_start3A_222 = arith.constant 0 : i32
        %dma_start3A_223 = tpu.memref_slice %arg2[%add3A, %scan3A_10, %dma_start3A_221, %dma_start3A_222] : memref<32x8x10x128xi32, #tpu.memory_space<hbm>> -> memref<1x1x10x128xi32, #tpu.memory_space<hbm>>
        %dma_start3A_224 = tpu.memref_squeeze %dma_start3A_223 : memref<1x1x10x128xi32, #tpu.memory_space<hbm>> -> memref<10x128xi32, #tpu.memory_space<hbm>>
        %dma_start3A_225 = arith.constant 0 : i32
        %dma_start3A_226 = arith.constant 0 : i32
        %dma_start3A_227 = tpu.memref_slice %arg2[%add3A, %scan3A_10, %dma_start3A_225, %dma_start3A_226] : memref<32x8x10x128xi32, #tpu.memory_space<hbm>> -> memref<1x1x10x128xi32, #tpu.memory_space<hbm>>
        %dma_start3A_228 = tpu.memref_squeeze %dma_start3A_227 : memref<1x1x10x128xi32, #tpu.memory_space<hbm>> -> memref<10x128xi32, #tpu.memory_space<hbm>>
        tpu.enqueue_dma source(%dma_start3A_228 : memref<10x128xi32, #tpu.memory_space<hbm>>) target(%arg5 : memref<10x128xi32, #tpu.memory_space<vmem>>) target_semaphore(%run_scoped3A : memref<!tpu.dma_semaphore, #tpu.memory_space<semaphore_mem>>)
        %dma_wait3A_229 = arith.constant 0 : i32
        %dma_wait3A_230 = arith.constant 0 : i32
        %dma_wait3A_231 = tpu.memref_slice %arg2[%add3A, %scan3A_10, %dma_wait3A_229, %dma_wait3A_230] : memref<32x8x10x128xi32, #tpu.memory_space<hbm>> -> memref<1x1x10x128xi32, #tpu.memory_space<hbm>>
        %dma_wait3A_232 = tpu.memref_squeeze %dma_wait3A_231 : memref<1x1x10x128xi32, #tpu.memory_space<hbm>> -> memref<10x128xi32, #tpu.memory_space<hbm>>
        %dma_wait3A_233 = arith.constant 0 : i32
        %dma_wait3A_234 = arith.constant 0 : i32
        %dma_wait3A_235 = tpu.memref_slice %arg2[%add3A, %scan3A_10, %dma_wait3A_233, %dma_wait3A_234] : memref<32x8x10x128xi32, #tpu.memory_space<hbm>> -> memref<1x1x10x128xi32, #tpu.memory_space<hbm>>
        %dma_wait3A_236 = tpu.memref_squeeze %dma_wait3A_235 : memref<1x1x10x128xi32, #tpu.memory_space<hbm>> -> memref<10x128xi32, #tpu.memory_space<hbm>>
        tpu.wait_dma2 semaphore(%run_scoped3A : memref<!tpu.dma_semaphore, #tpu.memory_space<semaphore_mem>>) src(%dma_wait3A_236 : memref<10x128xi32, #tpu.memory_space<hbm>>) dst(%arg5 : memref<10x128xi32, #tpu.memory_space<vmem>>)
        tpu.yield
      }) : () -> ()
      %dma_start3A = arith.constant 0 : i32
      %dma_start3A_12 = arith.constant 0 : i32
      %dma_start3A_13 = arith.constant 0 : i32
      %dma_start3A_14 = tpu.memref_slice %arg6[%dma_start3A_12, %dma_start3A_13] : memref<1280x32xf32, #tpu.memory_space<vmem>> -> memref<128x32xf32, #tpu.memory_space<vmem>>
      %dma_start3A_15 = arith.constant 0 : i32
      %dma_start3A_16 = tpu.memref_slice %arg5[%dma_start3A, %dma_start3A_15] : memref<10x128xi32, #tpu.memory_space<vmem>> -> memref<1x128xi32, #tpu.memory_space<vmem>>
      %dma_start3A_17 = tpu.memref_squeeze %dma_start3A_16 : memref<1x128xi32, #tpu.memory_space<vmem>> -> memref<128xi32, #tpu.memory_space<vmem>>
      %dma_start3A_18 = arith.constant 0 : i32
      %dma_start3A_19 = arith.constant 0 : i32
      %dma_start3A_20 = tpu.memref_slice %arg3[%dma_start3A_18, %dma_start3A_19] : memref<1048576x32xf32, #tpu.memory_space<hbm>> -> memref<1048576x32xf32, #tpu.memory_space<hbm>>
      tpu.enqueue_indirect_dma source(%dma_start3A_20 : memref<1048576x32xf32, #tpu.memory_space<hbm>>) target(%dma_start3A_14 : memref<128x32xf32, #tpu.memory_space<vmem>>) offsets(%dma_start3A_17 : memref<128xi32, #tpu.memory_space<vmem>>) semaphore(%arg8 : memref<!tpu.dma_semaphore, #tpu.memory_space<semaphore_mem>>)
      %dma_start3A_21 = arith.constant 1 : i32
      %dma_start3A_22 = arith.constant 128 : i32
      %dma_start3A_23 = arith.constant 0 : i32
      %dma_start3A_24 = tpu.memref_slice %arg6[%dma_start3A_22, %dma_start3A_23] : memref<1280x32xf32, #tpu.memory_space<vmem>> -> memref<128x32xf32, #tpu.memory_space<vmem>>
      %dma_start3A_25 = arith.constant 0 : i32
      %dma_start3A_26 = tpu.memref_slice %arg5[%dma_start3A_21, %dma_start3A_25] : memref<10x128xi32, #tpu.memory_space<vmem>> -> memref<1x128xi32, #tpu.memory_space<vmem>>
      %dma_start3A_27 = tpu.memref_squeeze %dma_start3A_26 : memref<1x128xi32, #tpu.memory_space<vmem>> -> memref<128xi32, #tpu.memory_space<vmem>>
      %dma_start3A_28 = arith.constant 0 : i32
      %dma_start3A_29 = arith.constant 0 : i32
      %dma_start3A_30 = tpu.memref_slice %arg3[%dma_start3A_28, %dma_start3A_29] : memref<1048576x32xf32, #tpu.memory_space<hbm>> -> memref<1048576x32xf32, #tpu.memory_space<hbm>>
      tpu.enqueue_indirect_dma source(%dma_start3A_30 : memref<1048576x32xf32, #tpu.memory_space<hbm>>) target(%dma_start3A_24 : memref<128x32xf32, #tpu.memory_space<vmem>>) offsets(%dma_start3A_27 : memref<128xi32, #tpu.memory_space<vmem>>) semaphore(%arg8 : memref<!tpu.dma_semaphore, #tpu.memory_space<semaphore_mem>>)
      %dma_start3A_31 = arith.constant 2 : i32
      %dma_start3A_32 = arith.constant 256 : i32
      %dma_start3A_33 = arith.constant 0 : i32
      %dma_start3A_34 = tpu.memref_slice %arg6[%dma_start3A_32, %dma_start3A_33] : memref<1280x32xf32, #tpu.memory_space<vmem>> -> memref<128x32xf32, #tpu.memory_space<vmem>>
      %dma_start3A_35 = arith.constant 0 : i32
      %dma_start3A_36 = tpu.memref_slice %arg5[%dma_start3A_31, %dma_start3A_35] : memref<10x128xi32, #tpu.memory_space<vmem>> -> memref<1x128xi32, #tpu.memory_space<vmem>>
      %dma_start3A_37 = tpu.memref_squeeze %dma_start3A_36 : memref<1x128xi32, #tpu.memory_space<vmem>> -> memref<128xi32, #tpu.memory_space<vmem>>
      %dma_start3A_38 = arith.constant 0 : i32
      %dma_start3A_39 = arith.constant 0 : i32
      %dma_start3A_40 = tpu.memref_slice %arg3[%dma_start3A_38, %dma_start3A_39] : memref<1048576x32xf32, #tpu.memory_space<hbm>> -> memref<1048576x32xf32, #tpu.memory_space<hbm>>
      tpu.enqueue_indirect_dma source(%dma_start3A_40 : memref<1048576x32xf32, #tpu.memory_space<hbm>>) target(%dma_start3A_34 : memref<128x32xf32, #tpu.memory_space<vmem>>) offsets(%dma_start3A_37 : memref<128xi32, #tpu.memory_space<vmem>>) semaphore(%arg8 : memref<!tpu.dma_semaphore, #tpu.memory_space<semaphore_mem>>)
      %dma_start3A_41 = arith.constant 3 : i32
      %dma_start3A_42 = arith.constant 384 : i32
      %dma_start3A_43 = arith.constant 0 : i32
      %dma_start3A_44 = tpu.memref_slice %arg6[%dma_start3A_42, %dma_start3A_43] : memref<1280x32xf32, #tpu.memory_space<vmem>> -> memref<128x32xf32, #tpu.memory_space<vmem>>
      %dma_start3A_45 = arith.constant 0 : i32
      %dma_start3A_46 = tpu.memref_slice %arg5[%dma_start3A_41, %dma_start3A_45] : memref<10x128xi32, #tpu.memory_space<vmem>> -> memref<1x128xi32, #tpu.memory_space<vmem>>
      %dma_start3A_47 = tpu.memref_squeeze %dma_start3A_46 : memref<1x128xi32, #tpu.memory_space<vmem>> -> memref<128xi32, #tpu.memory_space<vmem>>
      %dma_start3A_48 = arith.constant 0 : i32
      %dma_start3A_49 = arith.constant 0 : i32
      %dma_start3A_50 = tpu.memref_slice %arg3[%dma_start3A_48, %dma_start3A_49] : memref<1048576x32xf32, #tpu.memory_space<hbm>> -> memref<1048576x32xf32, #tpu.memory_space<hbm>>
      tpu.enqueue_indirect_dma source(%dma_start3A_50 : memref<1048576x32xf32, #tpu.memory_space<hbm>>) target(%dma_start3A_44 : memref<128x32xf32, #tpu.memory_space<vmem>>) offsets(%dma_start3A_47 : memref<128xi32, #tpu.memory_space<vmem>>) semaphore(%arg8 : memref<!tpu.dma_semaphore, #tpu.memory_space<semaphore_mem>>)
      %dma_start3A_51 = arith.constant 4 : i32
      %dma_start3A_52 = arith.constant 512 : i32
      %dma_start3A_53 = arith.constant 0 : i32
      %dma_start3A_54 = tpu.memref_slice %arg6[%dma_start3A_52, %dma_start3A_53] : memref<1280x32xf32, #tpu.memory_space<vmem>> -> memref<128x32xf32, #tpu.memory_space<vmem>>
      %dma_start3A_55 = arith.constant 0 : i32
      %dma_start3A_56 = tpu.memref_slice %arg5[%dma_start3A_51, %dma_start3A_55] : memref<10x128xi32, #tpu.memory_space<vmem>> -> memref<1x128xi32, #tpu.memory_space<vmem>>
      %dma_start3A_57 = tpu.memref_squeeze %dma_start3A_56 : memref<1x128xi32, #tpu.memory_space<vmem>> -> memref<128xi32, #tpu.memory_space<vmem>>
      %dma_start3A_58 = arith.constant 0 : i32
      %dma_start3A_59 = arith.constant 0 : i32
      %dma_start3A_60 = tpu.memref_slice %arg3[%dma_start3A_58, %dma_start3A_59] : memref<1048576x32xf32, #tpu.memory_space<hbm>> -> memref<1048576x32xf32, #tpu.memory_space<hbm>>
      tpu.enqueue_indirect_dma source(%dma_start3A_60 : memref<1048576x32xf32, #tpu.memory_space<hbm>>) target(%dma_start3A_54 : memref<128x32xf32, #tpu.memory_space<vmem>>) offsets(%dma_start3A_57 : memref<128xi32, #tpu.memory_space<vmem>>) semaphore(%arg8 : memref<!tpu.dma_semaphore, #tpu.memory_space<semaphore_mem>>)
      %dma_start3A_61 = arith.constant 5 : i32
      %dma_start3A_62 = arith.constant 640 : i32
      %dma_start3A_63 = arith.constant 0 : i32
      %dma_start3A_64 = tpu.memref_slice %arg6[%dma_start3A_62, %dma_start3A_63] : memref<1280x32xf32, #tpu.memory_space<vmem>> -> memref<128x32xf32, #tpu.memory_space<vmem>>
      %dma_start3A_65 = arith.constant 0 : i32
      %dma_start3A_66 = tpu.memref_slice %arg5[%dma_start3A_61, %dma_start3A_65] : memref<10x128xi32, #tpu.memory_space<vmem>> -> memref<1x128xi32, #tpu.memory_space<vmem>>
      %dma_start3A_67 = tpu.memref_squeeze %dma_start3A_66 : memref<1x128xi32, #tpu.memory_space<vmem>> -> memref<128xi32, #tpu.memory_space<vmem>>
      %dma_start3A_68 = arith.constant 0 : i32
      %dma_start3A_69 = arith.constant 0 : i32
      %dma_start3A_70 = tpu.memref_slice %arg3[%dma_start3A_68, %dma_start3A_69] : memref<1048576x32xf32, #tpu.memory_space<hbm>> -> memref<1048576x32xf32, #tpu.memory_space<hbm>>
      tpu.enqueue_indirect_dma source(%dma_start3A_70 : memref<1048576x32xf32, #tpu.memory_space<hbm>>) target(%dma_start3A_64 : memref<128x32xf32, #tpu.memory_space<vmem>>) offsets(%dma_start3A_67 : memref<128xi32, #tpu.memory_space<vmem>>) semaphore(%arg8 : memref<!tpu.dma_semaphore, #tpu.memory_space<semaphore_mem>>)
      %dma_start3A_71 = arith.constant 6 : i32
      %dma_start3A_72 = arith.constant 768 : i32
      %dma_start3A_73 = arith.constant 0 : i32
      %dma_start3A_74 = tpu.memref_slice %arg6[%dma_start3A_72, %dma_start3A_73] : memref<1280x32xf32, #tpu.memory_space<vmem>> -> memref<128x32xf32, #tpu.memory_space<vmem>>
      %dma_start3A_75 = arith.constant 0 : i32
      %dma_start3A_76 = tpu.memref_slice %arg5[%dma_start3A_71, %dma_start3A_75] : memref<10x128xi32, #tpu.memory_space<vmem>> -> memref<1x128xi32, #tpu.memory_space<vmem>>
      %dma_start3A_77 = tpu.memref_squeeze %dma_start3A_76 : memref<1x128xi32, #tpu.memory_space<vmem>> -> memref<128xi32, #tpu.memory_space<vmem>>
      %dma_start3A_78 = arith.constant 0 : i32
      %dma_start3A_79 = arith.constant 0 : i32
      %dma_start3A_80 = tpu.memref_slice %arg3[%dma_start3A_78, %dma_start3A_79] : memref<1048576x32xf32, #tpu.memory_space<hbm>> -> memref<1048576x32xf32, #tpu.memory_space<hbm>>
      tpu.enqueue_indirect_dma source(%dma_start3A_80 : memref<1048576x32xf32, #tpu.memory_space<hbm>>) target(%dma_start3A_74 : memref<128x32xf32, #tpu.memory_space<vmem>>) offsets(%dma_start3A_77 : memref<128xi32, #tpu.memory_space<vmem>>) semaphore(%arg8 : memref<!tpu.dma_semaphore, #tpu.memory_space<semaphore_mem>>)
      %dma_start3A_81 = arith.constant 7 : i32
      %dma_start3A_82 = arith.constant 896 : i32
      %dma_start3A_83 = arith.constant 0 : i32
      %dma_start3A_84 = tpu.memref_slice %arg6[%dma_start3A_82, %dma_start3A_83] : memref<1280x32xf32, #tpu.memory_space<vmem>> -> memref<128x32xf32, #tpu.memory_space<vmem>>
      %dma_start3A_85 = arith.constant 0 : i32
      %dma_start3A_86 = tpu.memref_slice %arg5[%dma_start3A_81, %dma_start3A_85] : memref<10x128xi32, #tpu.memory_space<vmem>> -> memref<1x128xi32, #tpu.memory_space<vmem>>
      %dma_start3A_87 = tpu.memref_squeeze %dma_start3A_86 : memref<1x128xi32, #tpu.memory_space<vmem>> -> memref<128xi32, #tpu.memory_space<vmem>>
      %dma_start3A_88 = arith.constant 0 : i32
      %dma_start3A_89 = arith.constant 0 : i32
      %dma_start3A_90 = tpu.memref_slice %arg3[%dma_start3A_88, %dma_start3A_89] : memref<1048576x32xf32, #tpu.memory_space<hbm>> -> memref<1048576x32xf32, #tpu.memory_space<hbm>>
      tpu.enqueue_indirect_dma source(%dma_start3A_90 : memref<1048576x32xf32, #tpu.memory_space<hbm>>) target(%dma_start3A_84 : memref<128x32xf32, #tpu.memory_space<vmem>>) offsets(%dma_start3A_87 : memref<128xi32, #tpu.memory_space<vmem>>) semaphore(%arg8 : memref<!tpu.dma_semaphore, #tpu.memory_space<semaphore_mem>>)
      %dma_start3A_91 = arith.constant 8 : i32
      %dma_start3A_92 = arith.constant 1024 : i32
      %dma_start3A_93 = arith.constant 0 : i32
      %dma_start3A_94 = tpu.memref_slice %arg6[%dma_start3A_92, %dma_start3A_93] : memref<1280x32xf32, #tpu.memory_space<vmem>> -> memref<128x32xf32, #tpu.memory_space<vmem>>
      %dma_start3A_95 = arith.constant 0 : i32
      %dma_start3A_96 = tpu.memref_slice %arg5[%dma_start3A_91, %dma_start3A_95] : memref<10x128xi32, #tpu.memory_space<vmem>> -> memref<1x128xi32, #tpu.memory_space<vmem>>
      %dma_start3A_97 = tpu.memref_squeeze %dma_start3A_96 : memref<1x128xi32, #tpu.memory_space<vmem>> -> memref<128xi32, #tpu.memory_space<vmem>>
      %dma_start3A_98 = arith.constant 0 : i32
      %dma_start3A_99 = arith.constant 0 : i32
      %dma_start3A_100 = tpu.memref_slice %arg3[%dma_start3A_98, %dma_start3A_99] : memref<1048576x32xf32, #tpu.memory_space<hbm>> -> memref<1048576x32xf32, #tpu.memory_space<hbm>>
      tpu.enqueue_indirect_dma source(%dma_start3A_100 : memref<1048576x32xf32, #tpu.memory_space<hbm>>) target(%dma_start3A_94 : memref<128x32xf32, #tpu.memory_space<vmem>>) offsets(%dma_start3A_97 : memref<128xi32, #tpu.memory_space<vmem>>) semaphore(%arg8 : memref<!tpu.dma_semaphore, #tpu.memory_space<semaphore_mem>>)
      %dma_start3A_101 = arith.constant 9 : i32
      %dma_start3A_102 = arith.constant 1152 : i32
      %dma_start3A_103 = arith.constant 0 : i32
      %dma_start3A_104 = tpu.memref_slice %arg6[%dma_start3A_102, %dma_start3A_103] : memref<1280x32xf32, #tpu.memory_space<vmem>> -> memref<128x32xf32, #tpu.memory_space<vmem>>
      %dma_start3A_105 = arith.constant 0 : i32
      %dma_start3A_106 = tpu.memref_slice %arg5[%dma_start3A_101, %dma_start3A_105] : memref<10x128xi32, #tpu.memory_space<vmem>> -> memref<1x128xi32, #tpu.memory_space<vmem>>
      %dma_start3A_107 = tpu.memref_squeeze %dma_start3A_106 : memref<1x128xi32, #tpu.memory_space<vmem>> -> memref<128xi32, #tpu.memory_space<vmem>>
      %dma_start3A_108 = arith.constant 0 : i32
      %dma_start3A_109 = arith.constant 0 : i32
      %dma_start3A_110 = tpu.memref_slice %arg3[%dma_start3A_108, %dma_start3A_109] : memref<1048576x32xf32, #tpu.memory_space<hbm>> -> memref<1048576x32xf32, #tpu.memory_space<hbm>>
      tpu.enqueue_indirect_dma source(%dma_start3A_110 : memref<1048576x32xf32, #tpu.memory_space<hbm>>) target(%dma_start3A_104 : memref<128x32xf32, #tpu.memory_space<vmem>>) offsets(%dma_start3A_107 : memref<128xi32, #tpu.memory_space<vmem>>) semaphore(%arg8 : memref<!tpu.dma_semaphore, #tpu.memory_space<semaphore_mem>>)
      %dma_wait3A = arith.constant 0 : i32
      %dma_wait3A_111 = arith.constant 0 : i32
      %dma_wait3A_112 = arith.constant 0 : i32
      %dma_wait3A_113 = tpu.memref_slice %arg6[%dma_wait3A_111, %dma_wait3A_112] : memref<1280x32xf32, #tpu.memory_space<vmem>> -> memref<128x32xf32, #tpu.memory_space<vmem>>
      %dma_wait3A_114 = arith.constant 0 : i32
      %dma_wait3A_115 = tpu.memref_slice %arg5[%dma_wait3A, %dma_wait3A_114] : memref<10x128xi32, #tpu.memory_space<vmem>> -> memref<1x128xi32, #tpu.memory_space<vmem>>
      %dma_wait3A_116 = tpu.memref_squeeze %dma_wait3A_115 : memref<1x128xi32, #tpu.memory_space<vmem>> -> memref<128xi32, #tpu.memory_space<vmem>>
      %dma_wait3A_117 = arith.constant 0 : i32
      %dma_wait3A_118 = arith.constant 0 : i32
      %dma_wait3A_119 = tpu.memref_slice %arg3[%dma_wait3A_117, %dma_wait3A_118] : memref<1048576x32xf32, #tpu.memory_space<hbm>> -> memref<1048576x32xf32, #tpu.memory_space<hbm>>
      tpu.wait_indirect_dma semaphore(%arg8 : memref<!tpu.dma_semaphore, #tpu.memory_space<semaphore_mem>>) src(%dma_wait3A_119 : memref<1048576x32xf32, #tpu.memory_space<hbm>>) dst(%dma_wait3A_113 : memref<128x32xf32, #tpu.memory_space<vmem>>)
      %dma_wait3A_120 = arith.constant 1 : i32
      %dma_wait3A_121 = arith.constant 128 : i32
      %dma_wait3A_122 = arith.constant 0 : i32
      %dma_wait3A_123 = tpu.memref_slice %arg6[%dma_wait3A_121, %dma_wait3A_122] : memref<1280x32xf32, #tpu.memory_space<vmem>> -> memref<128x32xf32, #tpu.memory_space<vmem>>
      %dma_wait3A_124 = arith.constant 0 : i32
      %dma_wait3A_125 = tpu.memref_slice %arg5[%dma_wait3A_120, %dma_wait3A_124] : memref<10x128xi32, #tpu.memory_space<vmem>> -> memref<1x128xi32, #tpu.memory_space<vmem>>
      %dma_wait3A_126 = tpu.memref_squeeze %dma_wait3A_125 : memref<1x128xi32, #tpu.memory_space<vmem>> -> memref<128xi32, #tpu.memory_space<vmem>>
      %dma_wait3A_127 = arith.constant 0 : i32
      %dma_wait3A_128 = arith.constant 0 : i32
      %dma_wait3A_129 = tpu.memref_slice %arg3[%dma_wait3A_127, %dma_wait3A_128] : memref<1048576x32xf32, #tpu.memory_space<hbm>> -> memref<1048576x32xf32, #tpu.memory_space<hbm>>
      tpu.wait_indirect_dma semaphore(%arg8 : memref<!tpu.dma_semaphore, #tpu.memory_space<semaphore_mem>>) src(%dma_wait3A_129 : memref<1048576x32xf32, #tpu.memory_space<hbm>>) dst(%dma_wait3A_123 : memref<128x32xf32, #tpu.memory_space<vmem>>)
      %dma_wait3A_130 = arith.constant 2 : i32
      %dma_wait3A_131 = arith.constant 256 : i32
      %dma_wait3A_132 = arith.constant 0 : i32
      %dma_wait3A_133 = tpu.memref_slice %arg6[%dma_wait3A_131, %dma_wait3A_132] : memref<1280x32xf32, #tpu.memory_space<vmem>> -> memref<128x32xf32, #tpu.memory_space<vmem>>
      %dma_wait3A_134 = arith.constant 0 : i32
      %dma_wait3A_135 = tpu.memref_slice %arg5[%dma_wait3A_130, %dma_wait3A_134] : memref<10x128xi32, #tpu.memory_space<vmem>> -> memref<1x128xi32, #tpu.memory_space<vmem>>
      %dma_wait3A_136 = tpu.memref_squeeze %dma_wait3A_135 : memref<1x128xi32, #tpu.memory_space<vmem>> -> memref<128xi32, #tpu.memory_space<vmem>>
      %dma_wait3A_137 = arith.constant 0 : i32
      %dma_wait3A_138 = arith.constant 0 : i32
      %dma_wait3A_139 = tpu.memref_slice %arg3[%dma_wait3A_137, %dma_wait3A_138] : memref<1048576x32xf32, #tpu.memory_space<hbm>> -> memref<1048576x32xf32, #tpu.memory_space<hbm>>
      tpu.wait_indirect_dma semaphore(%arg8 : memref<!tpu.dma_semaphore, #tpu.memory_space<semaphore_mem>>) src(%dma_wait3A_139 : memref<1048576x32xf32, #tpu.memory_space<hbm>>) dst(%dma_wait3A_133 : memref<128x32xf32, #tpu.memory_space<vmem>>)
      %dma_wait3A_140 = arith.constant 3 : i32
      %dma_wait3A_141 = arith.constant 384 : i32
      %dma_wait3A_142 = arith.constant 0 : i32
      %dma_wait3A_143 = tpu.memref_slice %arg6[%dma_wait3A_141, %dma_wait3A_142] : memref<1280x32xf32, #tpu.memory_space<vmem>> -> memref<128x32xf32, #tpu.memory_space<vmem>>
      %dma_wait3A_144 = arith.constant 0 : i32
      %dma_wait3A_145 = tpu.memref_slice %arg5[%dma_wait3A_140, %dma_wait3A_144] : memref<10x128xi32, #tpu.memory_space<vmem>> -> memref<1x128xi32, #tpu.memory_space<vmem>>
      %dma_wait3A_146 = tpu.memref_squeeze %dma_wait3A_145 : memref<1x128xi32, #tpu.memory_space<vmem>> -> memref<128xi32, #tpu.memory_space<vmem>>
      %dma_wait3A_147 = arith.constant 0 : i32
      %dma_wait3A_148 = arith.constant 0 : i32
      %dma_wait3A_149 = tpu.memref_slice %arg3[%dma_wait3A_147, %dma_wait3A_148] : memref<1048576x32xf32, #tpu.memory_space<hbm>> -> memref<1048576x32xf32, #tpu.memory_space<hbm>>
      tpu.wait_indirect_dma semaphore(%arg8 : memref<!tpu.dma_semaphore, #tpu.memory_space<semaphore_mem>>) src(%dma_wait3A_149 : memref<1048576x32xf32, #tpu.memory_space<hbm>>) dst(%dma_wait3A_143 : memref<128x32xf32, #tpu.memory_space<vmem>>)
      %dma_wait3A_150 = arith.constant 4 : i32
      %dma_wait3A_151 = arith.constant 512 : i32
      %dma_wait3A_152 = arith.constant 0 : i32
      %dma_wait3A_153 = tpu.memref_slice %arg6[%dma_wait3A_151, %dma_wait3A_152] : memref<1280x32xf32, #tpu.memory_space<vmem>> -> memref<128x32xf32, #tpu.memory_space<vmem>>
      %dma_wait3A_154 = arith.constant 0 : i32
      %dma_wait3A_155 = tpu.memref_slice %arg5[%dma_wait3A_150, %dma_wait3A_154] : memref<10x128xi32, #tpu.memory_space<vmem>> -> memref<1x128xi32, #tpu.memory_space<vmem>>
      %dma_wait3A_156 = tpu.memref_squeeze %dma_wait3A_155 : memref<1x128xi32, #tpu.memory_space<vmem>> -> memref<128xi32, #tpu.memory_space<vmem>>
      %dma_wait3A_157 = arith.constant 0 : i32
      %dma_wait3A_158 = arith.constant 0 : i32
      %dma_wait3A_159 = tpu.memref_slice %arg3[%dma_wait3A_157, %dma_wait3A_158] : memref<1048576x32xf32, #tpu.memory_space<hbm>> -> memref<1048576x32xf32, #tpu.memory_space<hbm>>
      tpu.wait_indirect_dma semaphore(%arg8 : memref<!tpu.dma_semaphore, #tpu.memory_space<semaphore_mem>>) src(%dma_wait3A_159 : memref<1048576x32xf32, #tpu.memory_space<hbm>>) dst(%dma_wait3A_153 : memref<128x32xf32, #tpu.memory_space<vmem>>)
      %dma_wait3A_160 = arith.constant 5 : i32
      %dma_wait3A_161 = arith.constant 640 : i32
      %dma_wait3A_162 = arith.constant 0 : i32
      %dma_wait3A_163 = tpu.memref_slice %arg6[%dma_wait3A_161, %dma_wait3A_162] : memref<1280x32xf32, #tpu.memory_space<vmem>> -> memref<128x32xf32, #tpu.memory_space<vmem>>
      %dma_wait3A_164 = arith.constant 0 : i32
      %dma_wait3A_165 = tpu.memref_slice %arg5[%dma_wait3A_160, %dma_wait3A_164] : memref<10x128xi32, #tpu.memory_space<vmem>> -> memref<1x128xi32, #tpu.memory_space<vmem>>
      %dma_wait3A_166 = tpu.memref_squeeze %dma_wait3A_165 : memref<1x128xi32, #tpu.memory_space<vmem>> -> memref<128xi32, #tpu.memory_space<vmem>>
      %dma_wait3A_167 = arith.constant 0 : i32
      %dma_wait3A_168 = arith.constant 0 : i32
      %dma_wait3A_169 = tpu.memref_slice %arg3[%dma_wait3A_167, %dma_wait3A_168] : memref<1048576x32xf32, #tpu.memory_space<hbm>> -> memref<1048576x32xf32, #tpu.memory_space<hbm>>
      tpu.wait_indirect_dma semaphore(%arg8 : memref<!tpu.dma_semaphore, #tpu.memory_space<semaphore_mem>>) src(%dma_wait3A_169 : memref<1048576x32xf32, #tpu.memory_space<hbm>>) dst(%dma_wait3A_163 : memref<128x32xf32, #tpu.memory_space<vmem>>)
      %dma_wait3A_170 = arith.constant 6 : i32
      %dma_wait3A_171 = arith.constant 768 : i32
      %dma_wait3A_172 = arith.constant 0 : i32
      %dma_wait3A_173 = tpu.memref_slice %arg6[%dma_wait3A_171, %dma_wait3A_172] : memref<1280x32xf32, #tpu.memory_space<vmem>> -> memref<128x32xf32, #tpu.memory_space<vmem>>
      %dma_wait3A_174 = arith.constant 0 : i32
      %dma_wait3A_175 = tpu.memref_slice %arg5[%dma_wait3A_170, %dma_wait3A_174] : memref<10x128xi32, #tpu.memory_space<vmem>> -> memref<1x128xi32, #tpu.memory_space<vmem>>
      %dma_wait3A_176 = tpu.memref_squeeze %dma_wait3A_175 : memref<1x128xi32, #tpu.memory_space<vmem>> -> memref<128xi32, #tpu.memory_space<vmem>>
      %dma_wait3A_177 = arith.constant 0 : i32
      %dma_wait3A_178 = arith.constant 0 : i32
      %dma_wait3A_179 = tpu.memref_slice %arg3[%dma_wait3A_177, %dma_wait3A_178] : memref<1048576x32xf32, #tpu.memory_space<hbm>> -> memref<1048576x32xf32, #tpu.memory_space<hbm>>
      tpu.wait_indirect_dma semaphore(%arg8 : memref<!tpu.dma_semaphore, #tpu.memory_space<semaphore_mem>>) src(%dma_wait3A_179 : memref<1048576x32xf32, #tpu.memory_space<hbm>>) dst(%dma_wait3A_173 : memref<128x32xf32, #tpu.memory_space<vmem>>)
      %dma_wait3A_180 = arith.constant 7 : i32
      %dma_wait3A_181 = arith.constant 896 : i32
      %dma_wait3A_182 = arith.constant 0 : i32
      %dma_wait3A_183 = tpu.memref_slice %arg6[%dma_wait3A_181, %dma_wait3A_182] : memref<1280x32xf32, #tpu.memory_space<vmem>> -> memref<128x32xf32, #tpu.memory_space<vmem>>
      %dma_wait3A_184 = arith.constant 0 : i32
      %dma_wait3A_185 = tpu.memref_slice %arg5[%dma_wait3A_180, %dma_wait3A_184] : memref<10x128xi32, #tpu.memory_space<vmem>> -> memref<1x128xi32, #tpu.memory_space<vmem>>
      %dma_wait3A_186 = tpu.memref_squeeze %dma_wait3A_185 : memref<1x128xi32, #tpu.memory_space<vmem>> -> memref<128xi32, #tpu.memory_space<vmem>>
      %dma_wait3A_187 = arith.constant 0 : i32
      %dma_wait3A_188 = arith.constant 0 : i32
      %dma_wait3A_189 = tpu.memref_slice %arg3[%dma_wait3A_187, %dma_wait3A_188] : memref<1048576x32xf32, #tpu.memory_space<hbm>> -> memref<1048576x32xf32, #tpu.memory_space<hbm>>
      tpu.wait_indirect_dma semaphore(%arg8 : memref<!tpu.dma_semaphore, #tpu.memory_space<semaphore_mem>>) src(%dma_wait3A_189 : memref<1048576x32xf32, #tpu.memory_space<hbm>>) dst(%dma_wait3A_183 : memref<128x32xf32, #tpu.memory_space<vmem>>)
      %dma_wait3A_190 = arith.constant 8 : i32
      %dma_wait3A_191 = arith.constant 1024 : i32
      %dma_wait3A_192 = arith.constant 0 : i32
      %dma_wait3A_193 = tpu.memref_slice %arg6[%dma_wait3A_191, %dma_wait3A_192] : memref<1280x32xf32, #tpu.memory_space<vmem>> -> memref<128x32xf32, #tpu.memory_space<vmem>>
      %dma_wait3A_194 = arith.constant 0 : i32
      %dma_wait3A_195 = tpu.memref_slice %arg5[%dma_wait3A_190, %dma_wait3A_194] : memref<10x128xi32, #tpu.memory_space<vmem>> -> memref<1x128xi32, #tpu.memory_space<vmem>>
      %dma_wait3A_196 = tpu.memref_squeeze %dma_wait3A_195 : memref<1x128xi32, #tpu.memory_space<vmem>> -> memref<128xi32, #tpu.memory_space<vmem>>
      %dma_wait3A_197 = arith.constant 0 : i32
      %dma_wait3A_198 = arith.constant 0 : i32
      %dma_wait3A_199 = tpu.memref_slice %arg3[%dma_wait3A_197, %dma_wait3A_198] : memref<1048576x32xf32, #tpu.memory_space<hbm>> -> memref<1048576x32xf32, #tpu.memory_space<hbm>>
      tpu.wait_indirect_dma semaphore(%arg8 : memref<!tpu.dma_semaphore, #tpu.memory_space<semaphore_mem>>) src(%dma_wait3A_199 : memref<1048576x32xf32, #tpu.memory_space<hbm>>) dst(%dma_wait3A_193 : memref<128x32xf32, #tpu.memory_space<vmem>>)
      %dma_wait3A_200 = arith.constant 9 : i32
      %dma_wait3A_201 = arith.constant 1152 : i32
      %dma_wait3A_202 = arith.constant 0 : i32
      %dma_wait3A_203 = tpu.memref_slice %arg6[%dma_wait3A_201, %dma_wait3A_202] : memref<1280x32xf32, #tpu.memory_space<vmem>> -> memref<128x32xf32, #tpu.memory_space<vmem>>
      %dma_wait3A_204 = arith.constant 0 : i32
      %dma_wait3A_205 = tpu.memref_slice %arg5[%dma_wait3A_200, %dma_wait3A_204] : memref<10x128xi32, #tpu.memory_space<vmem>> -> memref<1x128xi32, #tpu.memory_space<vmem>>
      %dma_wait3A_206 = tpu.memref_squeeze %dma_wait3A_205 : memref<1x128xi32, #tpu.memory_space<vmem>> -> memref<128xi32, #tpu.memory_space<vmem>>
      %dma_wait3A_207 = arith.constant 0 : i32
      %dma_wait3A_208 = arith.constant 0 : i32
      %dma_wait3A_209 = tpu.memref_slice %arg3[%dma_wait3A_207, %dma_wait3A_208] : memref<1048576x32xf32, #tpu.memory_space<hbm>> -> memref<1048576x32xf32, #tpu.memory_space<hbm>>
      tpu.wait_indirect_dma semaphore(%arg8 : memref<!tpu.dma_semaphore, #tpu.memory_space<semaphore_mem>>) src(%dma_wait3A_209 : memref<1048576x32xf32, #tpu.memory_space<hbm>>) dst(%dma_wait3A_203 : memref<128x32xf32, #tpu.memory_space<vmem>>)
      %scan3A_210 = arith.constant 0 : i32
      %scan3A_211 = arith.constant 0 : i32
      %scan3A_212 = arith.constant 64 : i32
      %scan3A_213 = arith.addi %scan3A_211, %scan3A_212 : i32
      %scan3A_214 = arith.constant 1 : i32
      %scan3A_215 = scf.for %scan3A_221 = %scan3A_211 to %scan3A_213 step %scan3A_214 iter_args(%scan3A_222 = %scan3A_210) -> (i32)  : i32 {
        %mul3A_223 = arith.constant 20 : i32
        %mul3A_224 = arith.muli %scan3A_221, %mul3A_223 : i32
        %get3A = arith.index_cast %mul3A_224 : i32 to index
        %get3A_225 = arith.constant 0 : index
        %get3A_226 = tpu.vector_load %arg6[%get3A, %get3A_225] {strides = array<i32>} : memref<1280x32xf32, #tpu.memory_space<vmem>>, vector<1x16xf32>,
        %get3A_227 = vector.shape_cast %get3A_226 : vector<1x16xf32> to vector<16xf32>
        %get3A_228 = arith.index_cast %mul3A_224 : i32 to index
        %get3A_229 = arith.constant 16 : index
        %get3A_230 = tpu.vector_load %arg6[%get3A_228, %get3A_229] {strides = array<i32>} : memref<1280x32xf32, #tpu.memory_space<vmem>>, vector<1x16xf32>,
        %get3A_231 = vector.shape_cast %get3A_230 : vector<1x16xf32> to vector<16xf32>
        %add3A_232 = arith.constant 1 : i32
        %add3A_233 = arith.addi %mul3A_224, %add3A_232 : i32
        %get3A_234 = arith.index_cast %add3A_233 : i32 to index
        %get3A_235 = arith.constant 0 : index
        %get3A_236 = tpu.vector_load %arg6[%get3A_234, %get3A_235] {strides = array<i32>} : memref<1280x32xf32, #tpu.memory_space<vmem>>, vector<1x16xf32>,
        %get3A_237 = vector.shape_cast %get3A_236 : vector<1x16xf32> to vector<16xf32>
        %add3A_238 = arith.addf %get3A_227, %get3A_237 : vector<16xf32>
        %add3A_239 = arith.constant 1 : i32
        %add3A_240 = arith.addi %mul3A_224, %add3A_239 : i32
        %get3A_241 = arith.index_cast %add3A_240 : i32 to index
        %get3A_242 = arith.constant 16 : index
        %get3A_243 = tpu.vector_load %arg6[%get3A_241, %get3A_242] {strides = array<i32>} : memref<1280x32xf32, #tpu.memory_space<vmem>>, vector<1x16xf32>,
        %get3A_244 = vector.shape_cast %get3A_243 : vector<1x16xf32> to vector<16xf32>
        %add3A_245 = arith.addf %get3A_231, %get3A_244 : vector<16xf32>
        %add3A_246 = arith.constant 2 : i32
        %add3A_247 = arith.addi %mul3A_224, %add3A_246 : i32
        %get3A_248 = arith.index_cast %add3A_247 : i32 to index
        %get3A_249 = arith.constant 0 : index
        %get3A_250 = tpu.vector_load %arg6[%get3A_248, %get3A_249] {strides = array<i32>} : memref<1280x32xf32, #tpu.memory_space<vmem>>, vector<1x16xf32>,
        %get3A_251 = vector.shape_cast %get3A_250 : vector<1x16xf32> to vector<16xf32>
        %add3A_252 = arith.addf %add3A_238, %get3A_251 : vector<16xf32>
        %add3A_253 = arith.constant 2 : i32
        %add3A_254 = arith.addi %mul3A_224, %add3A_253 : i32
        %get3A_255 = arith.index_cast %add3A_254 : i32 to index
        %get3A_256 = arith.constant 16 : index
        %get3A_257 = tpu.vector_load %arg6[%get3A_255, %get3A_256] {strides = array<i32>} : memref<1280x32xf32, #tpu.memory_space<vmem>>, vector<1x16xf32>,
        %get3A_258 = vector.shape_cast %get3A_257 : vector<1x16xf32> to vector<16xf32>
        %add3A_259 = arith.addf %add3A_245, %get3A_258 : vector<16xf32>
        %add3A_260 = arith.constant 3 : i32
        %add3A_261 = arith.addi %mul3A_224, %add3A_260 : i32
        %get3A_262 = arith.index_cast %add3A_261 : i32 to index
        %get3A_263 = arith.constant 0 : index
        %get3A_264 = tpu.vector_load %arg6[%get3A_262, %get3A_263] {strides = array<i32>} : memref<1280x32xf32, #tpu.memory_space<vmem>>, vector<1x16xf32>,
        %get3A_265 = vector.shape_cast %get3A_264 : vector<1x16xf32> to vector<16xf32>
        %add3A_266 = arith.addf %add3A_252, %get3A_265 : vector<16xf32>
        %add3A_267 = arith.constant 3 : i32
        %add3A_268 = arith.addi %mul3A_224, %add3A_267 : i32
        %get3A_269 = arith.index_cast %add3A_268 : i32 to index
        %get3A_270 = arith.constant 16 : index
        %get3A_271 = tpu.vector_load %arg6[%get3A_269, %get3A_270] {strides = array<i32>} : memref<1280x32xf32, #tpu.memory_space<vmem>>, vector<1x16xf32>,
        %get3A_272 = vector.shape_cast %get3A_271 : vector<1x16xf32> to vector<16xf32>
        %add3A_273 = arith.addf %add3A_259, %get3A_272 : vector<16xf32>
        %add3A_274 = arith.constant 4 : i32
        %add3A_275 = arith.addi %mul3A_224, %add3A_274 : i32
        %get3A_276 = arith.index_cast %add3A_275 : i32 to index
        %get3A_277 = arith.constant 0 : index
        %get3A_278 = tpu.vector_load %arg6[%get3A_276, %get3A_277] {strides = array<i32>} : memref<1280x32xf32, #tpu.memory_space<vmem>>, vector<1x16xf32>,
        %get3A_279 = vector.shape_cast %get3A_278 : vector<1x16xf32> to vector<16xf32>
        %add3A_280 = arith.addf %add3A_266, %get3A_279 : vector<16xf32>
        %add3A_281 = arith.constant 4 : i32
        %add3A_282 = arith.addi %mul3A_224, %add3A_281 : i32
        %get3A_283 = arith.index_cast %add3A_282 : i32 to index
        %get3A_284 = arith.constant 16 : index
        %get3A_285 = tpu.vector_load %arg6[%get3A_283, %get3A_284] {strides = array<i32>} : memref<1280x32xf32, #tpu.memory_space<vmem>>, vector<1x16xf32>,
        %get3A_286 = vector.shape_cast %get3A_285 : vector<1x16xf32> to vector<16xf32>
        %add3A_287 = arith.addf %add3A_273, %get3A_286 : vector<16xf32>
        %add3A_288 = arith.constant 5 : i32
        %add3A_289 = arith.addi %mul3A_224, %add3A_288 : i32
        %get3A_290 = arith.index_cast %add3A_289 : i32 to index
        %get3A_291 = arith.constant 0 : index
        %get3A_292 = tpu.vector_load %arg6[%get3A_290, %get3A_291] {strides = array<i32>} : memref<1280x32xf32, #tpu.memory_space<vmem>>, vector<1x16xf32>,
        %get3A_293 = vector.shape_cast %get3A_292 : vector<1x16xf32> to vector<16xf32>
        %add3A_294 = arith.addf %add3A_280, %get3A_293 : vector<16xf32>
        %add3A_295 = arith.constant 5 : i32
        %add3A_296 = arith.addi %mul3A_224, %add3A_295 : i32
        %get3A_297 = arith.index_cast %add3A_296 : i32 to index
        %get3A_298 = arith.constant 16 : index
        %get3A_299 = tpu.vector_load %arg6[%get3A_297, %get3A_298] {strides = array<i32>} : memref<1280x32xf32, #tpu.memory_space<vmem>>, vector<1x16xf32>,
        %get3A_300 = vector.shape_cast %get3A_299 : vector<1x16xf32> to vector<16xf32>
        %add3A_301 = arith.addf %add3A_287, %get3A_300 : vector<16xf32>
        %add3A_302 = arith.constant 6 : i32
        %add3A_303 = arith.addi %mul3A_224, %add3A_302 : i32
        %get3A_304 = arith.index_cast %add3A_303 : i32 to index
        %get3A_305 = arith.constant 0 : index
        %get3A_306 = tpu.vector_load %arg6[%get3A_304, %get3A_305] {strides = array<i32>} : memref<1280x32xf32, #tpu.memory_space<vmem>>, vector<1x16xf32>,
        %get3A_307 = vector.shape_cast %get3A_306 : vector<1x16xf32> to vector<16xf32>
        %add3A_308 = arith.addf %add3A_294, %get3A_307 : vector<16xf32>
        %add3A_309 = arith.constant 6 : i32
        %add3A_310 = arith.addi %mul3A_224, %add3A_309 : i32
        %get3A_311 = arith.index_cast %add3A_310 : i32 to index
        %get3A_312 = arith.constant 16 : index
        %get3A_313 = tpu.vector_load %arg6[%get3A_311, %get3A_312] {strides = array<i32>} : memref<1280x32xf32, #tpu.memory_space<vmem>>, vector<1x16xf32>,
        %get3A_314 = vector.shape_cast %get3A_313 : vector<1x16xf32> to vector<16xf32>
        %add3A_315 = arith.addf %add3A_301, %get3A_314 : vector<16xf32>
        %add3A_316 = arith.constant 7 : i32
        %add3A_317 = arith.addi %mul3A_224, %add3A_316 : i32
        %get3A_318 = arith.index_cast %add3A_317 : i32 to index
        %get3A_319 = arith.constant 0 : index
        %get3A_320 = tpu.vector_load %arg6[%get3A_318, %get3A_319] {strides = array<i32>} : memref<1280x32xf32, #tpu.memory_space<vmem>>, vector<1x16xf32>,
        %get3A_321 = vector.shape_cast %get3A_320 : vector<1x16xf32> to vector<16xf32>
        %add3A_322 = arith.addf %add3A_308, %get3A_321 : vector<16xf32>
        %add3A_323 = arith.constant 7 : i32
        %add3A_324 = arith.addi %mul3A_224, %add3A_323 : i32
        %get3A_325 = arith.index_cast %add3A_324 : i32 to index
        %get3A_326 = arith.constant 16 : index
        %get3A_327 = tpu.vector_load %arg6[%get3A_325, %get3A_326] {strides = array<i32>} : memref<1280x32xf32, #tpu.memory_space<vmem>>, vector<1x16xf32>,
        %get3A_328 = vector.shape_cast %get3A_327 : vector<1x16xf32> to vector<16xf32>
        %add3A_329 = arith.addf %add3A_315, %get3A_328 : vector<16xf32>
        %add3A_330 = arith.constant 8 : i32
        %add3A_331 = arith.addi %mul3A_224, %add3A_330 : i32
        %get3A_332 = arith.index_cast %add3A_331 : i32 to index
        %get3A_333 = arith.constant 0 : index
        %get3A_334 = tpu.vector_load %arg6[%get3A_332, %get3A_333] {strides = array<i32>} : memref<1280x32xf32, #tpu.memory_space<vmem>>, vector<1x16xf32>,
        %get3A_335 = vector.shape_cast %get3A_334 : vector<1x16xf32> to vector<16xf32>
        %add3A_336 = arith.addf %add3A_322, %get3A_335 : vector<16xf32>
        %add3A_337 = arith.constant 8 : i32
        %add3A_338 = arith.addi %mul3A_224, %add3A_337 : i32
        %get3A_339 = arith.index_cast %add3A_338 : i32 to index
        %get3A_340 = arith.constant 16 : index
        %get3A_341 = tpu.vector_load %arg6[%get3A_339, %get3A_340] {strides = array<i32>} : memref<1280x32xf32, #tpu.memory_space<vmem>>, vector<1x16xf32>,
        %get3A_342 = vector.shape_cast %get3A_341 : vector<1x16xf32> to vector<16xf32>
        %add3A_343 = arith.addf %add3A_329, %get3A_342 : vector<16xf32>
        %add3A_344 = arith.constant 9 : i32
        %add3A_345 = arith.addi %mul3A_224, %add3A_344 : i32
        %get3A_346 = arith.index_cast %add3A_345 : i32 to index
        %get3A_347 = arith.constant 0 : index
        %get3A_348 = tpu.vector_load %arg6[%get3A_346, %get3A_347] {strides = array<i32>} : memref<1280x32xf32, #tpu.memory_space<vmem>>, vector<1x16xf32>,
        %get3A_349 = vector.shape_cast %get3A_348 : vector<1x16xf32> to vector<16xf32>
        %add3A_350 = arith.addf %add3A_336, %get3A_349 : vector<16xf32>
        %add3A_351 = arith.constant 9 : i32
        %add3A_352 = arith.addi %mul3A_224, %add3A_351 : i32
        %get3A_353 = arith.index_cast %add3A_352 : i32 to index
        %get3A_354 = arith.constant 16 : index
        %get3A_355 = tpu.vector_load %arg6[%get3A_353, %get3A_354] {strides = array<i32>} : memref<1280x32xf32, #tpu.memory_space<vmem>>, vector<1x16xf32>,
        %get3A_356 = vector.shape_cast %get3A_355 : vector<1x16xf32> to vector<16xf32>
        %add3A_357 = arith.addf %add3A_343, %get3A_356 : vector<16xf32>
        %add3A_358 = arith.constant 10 : i32
        %add3A_359 = arith.addi %mul3A_224, %add3A_358 : i32
        %get3A_360 = arith.index_cast %add3A_359 : i32 to index
        %get3A_361 = arith.constant 0 : index
        %get3A_362 = tpu.vector_load %arg6[%get3A_360, %get3A_361] {strides = array<i32>} : memref<1280x32xf32, #tpu.memory_space<vmem>>, vector<1x16xf32>,
        %get3A_363 = vector.shape_cast %get3A_362 : vector<1x16xf32> to vector<16xf32>
        %add3A_364 = arith.addf %add3A_350, %get3A_363 : vector<16xf32>
        %add3A_365 = arith.constant 10 : i32
        %add3A_366 = arith.addi %mul3A_224, %add3A_365 : i32
        %get3A_367 = arith.index_cast %add3A_366 : i32 to index
        %get3A_368 = arith.constant 16 : index
        %get3A_369 = tpu.vector_load %arg6[%get3A_367, %get3A_368] {strides = array<i32>} : memref<1280x32xf32, #tpu.memory_space<vmem>>, vector<1x16xf32>,
        %get3A_370 = vector.shape_cast %get3A_369 : vector<1x16xf32> to vector<16xf32>
        %add3A_371 = arith.addf %add3A_357, %get3A_370 : vector<16xf32>
        %add3A_372 = arith.constant 11 : i32
        %add3A_373 = arith.addi %mul3A_224, %add3A_372 : i32
        %get3A_374 = arith.index_cast %add3A_373 : i32 to index
        %get3A_375 = arith.constant 0 : index
        %get3A_376 = tpu.vector_load %arg6[%get3A_374, %get3A_375] {strides = array<i32>} : memref<1280x32xf32, #tpu.memory_space<vmem>>, vector<1x16xf32>,
        %get3A_377 = vector.shape_cast %get3A_376 : vector<1x16xf32> to vector<16xf32>
        %add3A_378 = arith.addf %add3A_364, %get3A_377 : vector<16xf32>
        %add3A_379 = arith.constant 11 : i32
        %add3A_380 = arith.addi %mul3A_224, %add3A_379 : i32
        %get3A_381 = arith.index_cast %add3A_380 : i32 to index
        %get3A_382 = arith.constant 16 : index
        %get3A_383 = tpu.vector_load %arg6[%get3A_381, %get3A_382] {strides = array<i32>} : memref<1280x32xf32, #tpu.memory_space<vmem>>, vector<1x16xf32>,
        %get3A_384 = vector.shape_cast %get3A_383 : vector<1x16xf32> to vector<16xf32>
        %add3A_385 = arith.addf %add3A_371, %get3A_384 : vector<16xf32>
        %add3A_386 = arith.constant 12 : i32
        %add3A_387 = arith.addi %mul3A_224, %add3A_386 : i32
        %get3A_388 = arith.index_cast %add3A_387 : i32 to index
        %get3A_389 = arith.constant 0 : index
        %get3A_390 = tpu.vector_load %arg6[%get3A_388, %get3A_389] {strides = array<i32>} : memref<1280x32xf32, #tpu.memory_space<vmem>>, vector<1x16xf32>,
        %get3A_391 = vector.shape_cast %get3A_390 : vector<1x16xf32> to vector<16xf32>
        %add3A_392 = arith.addf %add3A_378, %get3A_391 : vector<16xf32>
        %add3A_393 = arith.constant 12 : i32
        %add3A_394 = arith.addi %mul3A_224, %add3A_393 : i32
        %get3A_395 = arith.index_cast %add3A_394 : i32 to index
        %get3A_396 = arith.constant 16 : index
        %get3A_397 = tpu.vector_load %arg6[%get3A_395, %get3A_396] {strides = array<i32>} : memref<1280x32xf32, #tpu.memory_space<vmem>>, vector<1x16xf32>,
        %get3A_398 = vector.shape_cast %get3A_397 : vector<1x16xf32> to vector<16xf32>
        %add3A_399 = arith.addf %add3A_385, %get3A_398 : vector<16xf32>
        %add3A_400 = arith.constant 13 : i32
        %add3A_401 = arith.addi %mul3A_224, %add3A_400 : i32
        %get3A_402 = arith.index_cast %add3A_401 : i32 to index
        %get3A_403 = arith.constant 0 : index
        %get3A_404 = tpu.vector_load %arg6[%get3A_402, %get3A_403] {strides = array<i32>} : memref<1280x32xf32, #tpu.memory_space<vmem>>, vector<1x16xf32>,
        %get3A_405 = vector.shape_cast %get3A_404 : vector<1x16xf32> to vector<16xf32>
        %add3A_406 = arith.addf %add3A_392, %get3A_405 : vector<16xf32>
        %add3A_407 = arith.constant 13 : i32
        %add3A_408 = arith.addi %mul3A_224, %add3A_407 : i32
        %get3A_409 = arith.index_cast %add3A_408 : i32 to index
        %get3A_410 = arith.constant 16 : index
        %get3A_411 = tpu.vector_load %arg6[%get3A_409, %get3A_410] {strides = array<i32>} : memref<1280x32xf32, #tpu.memory_space<vmem>>, vector<1x16xf32>,
        %get3A_412 = vector.shape_cast %get3A_411 : vector<1x16xf32> to vector<16xf32>
        %add3A_413 = arith.addf %add3A_399, %get3A_412 : vector<16xf32>
        %add3A_414 = arith.constant 14 : i32
        %add3A_415 = arith.addi %mul3A_224, %add3A_414 : i32
        %get3A_416 = arith.index_cast %add3A_415 : i32 to index
        %get3A_417 = arith.constant 0 : index
        %get3A_418 = tpu.vector_load %arg6[%get3A_416, %get3A_417] {strides = array<i32>} : memref<1280x32xf32, #tpu.memory_space<vmem>>, vector<1x16xf32>,
        %get3A_419 = vector.shape_cast %get3A_418 : vector<1x16xf32> to vector<16xf32>
        %add3A_420 = arith.addf %add3A_406, %get3A_419 : vector<16xf32>
        %add3A_421 = arith.constant 14 : i32
        %add3A_422 = arith.addi %mul3A_224, %add3A_421 : i32
        %get3A_423 = arith.index_cast %add3A_422 : i32 to index
        %get3A_424 = arith.constant 16 : index
        %get3A_425 = tpu.vector_load %arg6[%get3A_423, %get3A_424] {strides = array<i32>} : memref<1280x32xf32, #tpu.memory_space<vmem>>, vector<1x16xf32>,
        %get3A_426 = vector.shape_cast %get3A_425 : vector<1x16xf32> to vector<16xf32>
        %add3A_427 = arith.addf %add3A_413, %get3A_426 : vector<16xf32>
        %add3A_428 = arith.constant 15 : i32
        %add3A_429 = arith.addi %mul3A_224, %add3A_428 : i32
        %get3A_430 = arith.index_cast %add3A_429 : i32 to index
        %get3A_431 = arith.constant 0 : index
        %get3A_432 = tpu.vector_load %arg6[%get3A_430, %get3A_431] {strides = array<i32>} : memref<1280x32xf32, #tpu.memory_space<vmem>>, vector<1x16xf32>,
        %get3A_433 = vector.shape_cast %get3A_432 : vector<1x16xf32> to vector<16xf32>
        %add3A_434 = arith.addf %add3A_420, %get3A_433 : vector<16xf32>
        %add3A_435 = arith.constant 15 : i32
        %add3A_436 = arith.addi %mul3A_224, %add3A_435 : i32
        %get3A_437 = arith.index_cast %add3A_436 : i32 to index
        %get3A_438 = arith.constant 16 : index
        %get3A_439 = tpu.vector_load %arg6[%get3A_437, %get3A_438] {strides = array<i32>} : memref<1280x32xf32, #tpu.memory_space<vmem>>, vector<1x16xf32>,
        %get3A_440 = vector.shape_cast %get3A_439 : vector<1x16xf32> to vector<16xf32>
        %add3A_441 = arith.addf %add3A_427, %get3A_440 : vector<16xf32>
        %add3A_442 = arith.constant 16 : i32
        %add3A_443 = arith.addi %mul3A_224, %add3A_442 : i32
        %get3A_444 = arith.index_cast %add3A_443 : i32 to index
        %get3A_445 = arith.constant 0 : index
        %get3A_446 = tpu.vector_load %arg6[%get3A_444, %get3A_445] {strides = array<i32>} : memref<1280x32xf32, #tpu.memory_space<vmem>>, vector<1x16xf32>,
        %get3A_447 = vector.shape_cast %get3A_446 : vector<1x16xf32> to vector<16xf32>
        %add3A_448 = arith.addf %add3A_434, %get3A_447 : vector<16xf32>
        %add3A_449 = arith.constant 16 : i32
        %add3A_450 = arith.addi %mul3A_224, %add3A_449 : i32
        %get3A_451 = arith.index_cast %add3A_450 : i32 to index
        %get3A_452 = arith.constant 16 : index
        %get3A_453 = tpu.vector_load %arg6[%get3A_451, %get3A_452] {strides = array<i32>} : memref<1280x32xf32, #tpu.memory_space<vmem>>, vector<1x16xf32>,
        %get3A_454 = vector.shape_cast %get3A_453 : vector<1x16xf32> to vector<16xf32>
        %add3A_455 = arith.addf %add3A_441, %get3A_454 : vector<16xf32>
        %add3A_456 = arith.constant 17 : i32
        %add3A_457 = arith.addi %mul3A_224, %add3A_456 : i32
        %get3A_458 = arith.index_cast %add3A_457 : i32 to index
        %get3A_459 = arith.constant 0 : index
        %get3A_460 = tpu.vector_load %arg6[%get3A_458, %get3A_459] {strides = array<i32>} : memref<1280x32xf32, #tpu.memory_space<vmem>>, vector<1x16xf32>,
        %get3A_461 = vector.shape_cast %get3A_460 : vector<1x16xf32> to vector<16xf32>
        %add3A_462 = arith.addf %add3A_448, %get3A_461 : vector<16xf32>
        %add3A_463 = arith.constant 17 : i32
        %add3A_464 = arith.addi %mul3A_224, %add3A_463 : i32
        %get3A_465 = arith.index_cast %add3A_464 : i32 to index
        %get3A_466 = arith.constant 16 : index
        %get3A_467 = tpu.vector_load %arg6[%get3A_465, %get3A_466] {strides = array<i32>} : memref<1280x32xf32, #tpu.memory_space<vmem>>, vector<1x16xf32>,
        %get3A_468 = vector.shape_cast %get3A_467 : vector<1x16xf32> to vector<16xf32>
        %add3A_469 = arith.addf %add3A_455, %get3A_468 : vector<16xf32>
        %add3A_470 = arith.constant 18 : i32
        %add3A_471 = arith.addi %mul3A_224, %add3A_470 : i32
        %get3A_472 = arith.index_cast %add3A_471 : i32 to index
        %get3A_473 = arith.constant 0 : index
        %get3A_474 = tpu.vector_load %arg6[%get3A_472, %get3A_473] {strides = array<i32>} : memref<1280x32xf32, #tpu.memory_space<vmem>>, vector<1x16xf32>,
        %get3A_475 = vector.shape_cast %get3A_474 : vector<1x16xf32> to vector<16xf32>
        %add3A_476 = arith.addf %add3A_462, %get3A_475 : vector<16xf32>
        %add3A_477 = arith.constant 18 : i32
        %add3A_478 = arith.addi %mul3A_224, %add3A_477 : i32
        %get3A_479 = arith.index_cast %add3A_478 : i32 to index
        %get3A_480 = arith.constant 16 : index
        %get3A_481 = tpu.vector_load %arg6[%get3A_479, %get3A_480] {strides = array<i32>} : memref<1280x32xf32, #tpu.memory_space<vmem>>, vector<1x16xf32>,
        %get3A_482 = vector.shape_cast %get3A_481 : vector<1x16xf32> to vector<16xf32>
        %add3A_483 = arith.addf %add3A_469, %get3A_482 : vector<16xf32>
        %add3A_484 = arith.constant 19 : i32
        %add3A_485 = arith.addi %mul3A_224, %add3A_484 : i32
        %get3A_486 = arith.index_cast %add3A_485 : i32 to index
        %get3A_487 = arith.constant 0 : index
        %get3A_488 = tpu.vector_load %arg6[%get3A_486, %get3A_487] {strides = array<i32>} : memref<1280x32xf32, #tpu.memory_space<vmem>>, vector<1x16xf32>,
        %get3A_489 = vector.shape_cast %get3A_488 : vector<1x16xf32> to vector<16xf32>
        %add3A_490 = arith.addf %add3A_476, %get3A_489 : vector<16xf32>
        %add3A_491 = arith.constant 19 : i32
        %add3A_492 = arith.addi %mul3A_224, %add3A_491 : i32
        %get3A_493 = arith.index_cast %add3A_492 : i32 to index
        %get3A_494 = arith.constant 16 : index
        %get3A_495 = tpu.vector_load %arg6[%get3A_493, %get3A_494] {strides = array<i32>} : memref<1280x32xf32, #tpu.memory_space<vmem>>, vector<1x16xf32>,
        %get3A_496 = vector.shape_cast %get3A_495 : vector<1x16xf32> to vector<16xf32>
        %add3A_497 = arith.addf %add3A_483, %get3A_496 : vector<16xf32>
        %mul3A_498 = vector.broadcast %scan3A : f32 to vector<16xf32>
        %mul3A_499 = arith.mulf %add3A_490, %mul3A_498 : vector<16xf32>
        %swap3A = arith.index_cast %scan3A_221 : i32 to index
        %swap3A_500 = arith.constant 0 : index
        %swap3A_501 = tpu.vector_load %arg7[%swap3A, %swap3A_500] {strides = array<i32>} : memref<64x32xf32, #tpu.memory_space<vmem>>, vector<1x16xf32>,
        %swap3A_502 = vector.shape_cast %swap3A_501 : vector<1x16xf32> to vector<16xf32>
        %swap3A_503 = vector.shape_cast %mul3A_499 : vector<16xf32> to vector<1x16xf32>
        tpu.vector_store %arg7[%swap3A, %swap3A_500], %swap3A_503 {strides = array<i32>} : memref<64x32xf32, #tpu.memory_space<vmem>>, vector<1x16xf32>,
        %mul3A_504 = vector.broadcast %scan3A : f32 to vector<16xf32>
        %mul3A_505 = arith.mulf %add3A_497, %mul3A_504 : vector<16xf32>
        %swap3A_506 = arith.index_cast %scan3A_221 : i32 to index
        %swap3A_507 = arith.constant 16 : index
        %swap3A_508 = tpu.vector_load %arg7[%swap3A_506, %swap3A_507] {strides = array<i32>} : memref<64x32xf32, #tpu.memory_space<vmem>>, vector<1x16xf32>,
        %swap3A_509 = vector.shape_cast %swap3A_508 : vector<1x16xf32> to vector<16xf32>
        %swap3A_510 = vector.shape_cast %mul3A_505 : vector<16xf32> to vector<1x16xf32>
        tpu.vector_store %arg7[%swap3A_506, %swap3A_507], %swap3A_510 {strides = array<i32>} : memref<64x32xf32, #tpu.memory_space<vmem>>, vector<1x16xf32>,
        %scan3A_511 = arith.constant 0 : i32
        scf.yield %scan3A_511 : i32
      }
      %scan3A_216 = arith.constant 64 : i32
      %mul3A_217 = arith.constant 64 : i32
      %mul3A_218 = arith.muli %scan3A_10, %mul3A_217 : i32
      %add3A_219 = arith.addi %mul3A_2, %mul3A_218 : i32
      "tpu.region"() ({
        %run_scoped3A = tpu.sem_alloc : memref<!tpu.dma_semaphore, #tpu.memory_space<semaphore_mem>>
        %dma_start3A_221 = arith.constant 0 : i32
        %dma_start3A_222 = tpu.memref_slice %arg4[%add3A_219, %dma_start3A_221] : memref<16384x32xf32, #tpu.memory_space<hbm>> -> memref<64x32xf32, #tpu.memory_space<hbm>>
        %dma_start3A_223 = arith.constant 0 : i32
        %dma_start3A_224 = tpu.memref_slice %arg4[%add3A_219, %dma_start3A_223] : memref<16384x32xf32, #tpu.memory_space<hbm>> -> memref<64x32xf32, #tpu.memory_space<hbm>>
        tpu.enqueue_dma source(%arg7 : memref<64x32xf32, #tpu.memory_space<vmem>>) target(%dma_start3A_224 : memref<64x32xf32, #tpu.memory_space<hbm>>) target_semaphore(%run_scoped3A : memref<!tpu.dma_semaphore, #tpu.memory_space<semaphore_mem>>)
        %dma_wait3A_225 = arith.constant 0 : i32
        %dma_wait3A_226 = tpu.memref_slice %arg4[%add3A_219, %dma_wait3A_225] : memref<16384x32xf32, #tpu.memory_space<hbm>> -> memref<64x32xf32, #tpu.memory_space<hbm>>
        %dma_wait3A_227 = arith.constant 0 : i32
        %dma_wait3A_228 = tpu.memref_slice %arg4[%add3A_219, %dma_wait3A_227] : memref<16384x32xf32, #tpu.memory_space<hbm>> -> memref<64x32xf32, #tpu.memory_space<hbm>>
        tpu.wait_dma2 semaphore(%run_scoped3A : memref<!tpu.dma_semaphore, #tpu.memory_space<semaphore_mem>>) src(%arg7 : memref<64x32xf32, #tpu.memory_space<vmem>>) dst(%dma_wait3A_228 : memref<64x32xf32, #tpu.memory_space<hbm>>)
        tpu.yield
      }) : () -> ()
      %scan3A_220 = arith.constant 0 : i32
      scf.yield %scan3A_220 : i32
    }
    %scan3A_9 = arith.constant 8 : i32
    return
  }
}

module attributes {stable_mosaic.version = 14 : i64} {
  func.func @_tc_pack_body(%arg0: i32, %arg1: memref<32x16384xf32, #tpu.memory_space<vmem>>, %arg2: memref<32x16384xf32, #tpu.memory_space<vmem>>, %arg3: memref<32x16384xf32, #tpu.memory_space<vmem>>, %arg4: memref<32x16384xf32, #tpu.memory_space<vmem>>, %arg5: memref<16384x128xf32, #tpu.memory_space<vmem>>) attributes {dimension_semantics = [#tpu.dimension_semantics<arbitrary>], iteration_bounds = array<i64: 16>, scalar_prefetch = 0 : i64, scratch_operands = 0 : i64, tpu.core_type = #tpu.core_type<tc>, window_params = [{transform_indices = @transform_0, window_bounds = array<i64: 32, 16384>}, {transform_indices = @transform_1, window_bounds = array<i64: 32, 16384>}, {transform_indices = @transform_2, window_bounds = array<i64: 32, 16384>}, {transform_indices = @transform_3, window_bounds = array<i64: 32, 16384>}, {transform_indices = @transform_4, window_bounds = array<i64: 16384, 128>}]} {
    %get3A = arith.constant 0 : index
    %get3A_0 = arith.constant 0 : index
    %get3A_1 = vector.load %arg1[%get3A, %get3A_0] : memref<32x16384xf32, #tpu.memory_space<vmem>>, vector<32x16384xf32>
    %get3A_2 = arith.constant 0 : index
    %get3A_3 = arith.constant 0 : index
    %get3A_4 = vector.load %arg2[%get3A_2, %get3A_3] : memref<32x16384xf32, #tpu.memory_space<vmem>>, vector<32x16384xf32>
    %get3A_5 = arith.constant 0 : index
    %get3A_6 = arith.constant 0 : index
    %get3A_7 = vector.load %arg3[%get3A_5, %get3A_6] : memref<32x16384xf32, #tpu.memory_space<vmem>>, vector<32x16384xf32>
    %get3A_8 = arith.constant 0 : index
    %get3A_9 = arith.constant 0 : index
    %get3A_10 = vector.load %arg4[%get3A_8, %get3A_9] : memref<32x16384xf32, #tpu.memory_space<vmem>>, vector<32x16384xf32>
    %concatenate3A = tpu.concatenate %get3A_1, %get3A_4, %get3A_7, %get3A_10 in 0 : vector<32x16384xf32>, vector<32x16384xf32>, vector<32x16384xf32>, vector<32x16384xf32> -> vector<128x16384xf32>
    %transpose3A = tpu.transpose %concatenate3A, [1, 0] : vector<128x16384xf32> -> vector<16384x128xf32>
    %swap3A = arith.constant 0 : index
    %swap3A_11 = arith.constant 0 : index
    %swap3A_12 = vector.load %arg5[%swap3A, %swap3A_11] : memref<16384x128xf32, #tpu.memory_space<vmem>>, vector<16384x128xf32>
    tpu.vector_store %arg5[%swap3A, %swap3A_11], %transpose3A {strides = array<i32>} : memref<16384x128xf32, #tpu.memory_space<vmem>>, vector<16384x128xf32>,
    return
  }
  func.func @transform_0(%arg0: i32) -> (i32, i32) {
    %add3A = arith.constant 0 : i32
    %add3A_0 = arith.addi %add3A, %arg0 : i32
    %min3A = arith.constant 61 : i32
    %min3A_1 = arith.minsi %add3A_0, %min3A : i32
    %c0_i32 = arith.constant 0 : i32
    %c0_i32_2 = arith.constant 0 : i32
    return %c0_i32, %min3A_1 : i32, i32
  }
  func.func @transform_1(%arg0: i32) -> (i32, i32) {
    %add3A = arith.constant 16 : i32
    %add3A_0 = arith.addi %add3A, %arg0 : i32
    %min3A = arith.constant 61 : i32
    %min3A_1 = arith.minsi %add3A_0, %min3A : i32
    %c0_i32 = arith.constant 0 : i32
    %c0_i32_2 = arith.constant 0 : i32
    return %c0_i32, %min3A_1 : i32, i32
  }
  func.func @transform_2(%arg0: i32) -> (i32, i32) {
    %add3A = arith.constant 32 : i32
    %add3A_0 = arith.addi %add3A, %arg0 : i32
    %min3A = arith.constant 61 : i32
    %min3A_1 = arith.minsi %add3A_0, %min3A : i32
    %c0_i32 = arith.constant 0 : i32
    %c0_i32_2 = arith.constant 0 : i32
    return %c0_i32, %min3A_1 : i32, i32
  }
  func.func @transform_3(%arg0: i32) -> (i32, i32) {
    %add3A = arith.constant 48 : i32
    %add3A_0 = arith.addi %add3A, %arg0 : i32
    %min3A = arith.constant 61 : i32
    %min3A_1 = arith.minsi %add3A_0, %min3A : i32
    %c0_i32 = arith.constant 0 : i32
    %c0_i32_2 = arith.constant 0 : i32
    return %c0_i32, %min3A_1 : i32, i32
  }
  func.func @transform_4(%arg0: i32) -> (i32, i32) {
    %c0_i32 = arith.constant 0 : i32
    %c0_i32_0 = arith.constant 0 : i32
    return %arg0, %c0_i32 : i32, i32
  }
}

</mosaic_0001>

<sc_bundles>
// kernel: kernel.4.cloned.1.call-start
scs
__scs_entry_jumppad:
0x0: {  	(pc) =	sbr.rel $0x88, $3  }
0x1: {  	(tag) =	ssettag $0x0;
	lr =	simm.s32 $0x1  }
0x2: {  	[smem:$0x3F9F] =	sst lr;
	_ =	strace $0xD0000000  }
0x3: {  	_ = 	snop  }
0x4: {  	_ = 	snop  }
0x5: {  	_ = 	snop  }
0x6: {  	_ = 	snop  }
0x7: {  	_ = 	snop  }
__scs_overlays_trampoline_lowered:
0x8: {  	[smem:$0x3FAE] =	sst s0  }
0x9: {  	[smem:$0x3FAF] =	sst s1  }
0xa: {  	[smem:$0x3FB0] =	sst s2  }
0xb: {  	[smem:$0x3FB1] =	sst s3  }
0xc: {  	[smem:$0x3FB2] =	sst s4  }
0xd: {  	[smem:$0x3FB3] =	sst s5  }
0xe: {  	[smem:$0x3FB4] =	sst s6  }
0xf: {  	[smem:$0x3FB5] =	sst s7  }
0x10: {  	[smem:$0x3FB6] =	sst s8  }
0x11: {  	[smem:$0x3FB7] =	sst s9;
	s0 =	simm.s32 @!p0 $0x0  }
0x12: {  	s1 =	sld [smem:$0x3F9D];
	s0 =	simm.s32 @p0 $0x1  }
0x13: {  	[smem:$0x3FB8] =	sst s0;
	s0 =	simm.s32 @!p1 $0x0  }
0x14: {  	s2 =	sld [smem:$0x3F9C];
	s0 =	simm.s32 @p1 $0x1  }
0x15: {  	[smem:$0x3FB9] =	sst s0;
	s0 =	simm.s32 @!p2 $0x0  }
0x16: {  	s3 =	sld [smem:$0x3FDB];
	s0 =	simm.s32 @p2 $0x1  }
0x17: {  	s4 =	simm.s32 $0x1BF5;
	[smem:$0x3FBB] =	sst s0  }
0x18: {  	s0 =	sld [smem:$0x3F9E];
	_ =	swait.ge [sflag:s4], $0x0  }
0x19: {  	s7 =	sld [smem:$0x3F9F]  }
0x1a: {  	s8 =	sadd.s32 $0xFFFFE003, lr  }
0x1b: {  	s9 =	sadd.s32 $0xFFFFFEF7, lr;
	s5 =	simm.s32 $0xFFFFFFFF;
	p2 =	slt.u32 s8, $0xFFFFF086  }
0x1c: {  	p1 =	slt.u32 s9, $0xF7A;
	s5 =	simm.s32 @!p2 $0x0  }
0x1d: {  	s5 =	simm.s32 @p1 $0x1;
	p0 =	seq.s32 s7, s2  }
0x1e: {  	s7 =	smul.u32 @!p0 $0xF7A, s2;
	p2 =	seq.s32 @!p0 s5, $0x0  }
0x1f: {  	s9 =	smul.u32 $0xF7A, s1;
	s8 =	simm.s32 @!p0 $0x1BF5;
	p2 =	por !p2, p0  }
0x20: {  	[sflag:s8] =	ssyncset.s32 @!p0 $0xFFFFF086;
	s6 =	sadd.s32 @!p0 s3, s7;
	s7 =	simm.s32 @!p0 $0x108  }
0x21: {  	s3 =	sadd.s32 s3, s9;
	s6 =	sadd.s32 @!p0 $0x88, s6;
	s7 =	simm.s32 @p2 $0x1082  }
0x22: {  	[simem:s7], [sflag:s8] =	dma.local @!p0 [hbm:s6], $0xF7A  }
0x23: {  	s9 =	sor.u32 $0xD0000000, s2;
	s6 =	simm.s32 $0x108;
	_ =	swait.ge @!p0 [sflag:s8], $0x0  }
0x24: {  	s3 =	sadd.s32 $0x88, s3;
	s6 =	simm.s32 @!p1 $0x1082;
	[sflag:s4] =	ssyncset.s32 $0xFFFFF086  }
0x25: {  	[simem:s6], [sflag:s4] =	dma.local [hbm:s3], $0xF7A  }
0x26: {  	[smem:$0x3F9F] =	sst s1;
	(tag) =	ssettag s2;
	_ =	strace s9  }
0x27: {  	s1 =	sld [smem:$0x3FAF]  }
0x28: {  	s2 =	sld [smem:$0x3FB0]  }
0x29: {  	s4 =	sld [smem:$0x3FB2]  }
0x2a: {  	p0 =	seq.s32 s5, $0x0;
	s5 =	sld [smem:$0x3FB3]  }
0x2b: {  	s6 =	sld [smem:$0x3FB4]  }
0x2c: {  	s7 =	sld [smem:$0x3FB5]  }
0x2d: {  	s3 =	simm.s32 $0x108;
	s8 =	sld [smem:$0x3FB6]  }
0x2e: {  	s3 =	simm.s32 @!p0 $0x1082;
	s9 =	sld [smem:$0x3FB7]  }
0x2f: {  	lr =	sadd.s32 s0, s3;
	s0 =	sld [smem:$0x3FAE]  }
0x30: {  	s3 =	sld [smem:$0x3FB1]  }
0x31: {  	[smem:$0x3FBA] =	sst s10  }
0x32: {  	s10 =	sld [smem:$0x3FB8];
	_ =	sdelay $0x3  }
0x33: {  	p0 =	seq.s32 s10, $0x1;
	s10 =	sld [smem:$0x3FBA];
	_ =	sdelay $0x3  }
0x34: {  	[smem:$0x3FBA] =	sst s10  }
0x35: {  	s10 =	sld [smem:$0x3FB9];
	_ =	sdelay $0x3  }
0x36: {  	p1 =	seq.s32 s10, $0x1;
	s10 =	sld [smem:$0x3FBA];
	_ =	sdelay $0x3  }
0x37: {  	[smem:$0x3FBA] =	sst s10  }
0x38: {  	s10 =	sld [smem:$0x3FBB]  }
0x39: {  	_ = 	snop;
	(pc) =	sbr.ind lr, $3  }
0x3a: {  	_ = 	snop  }
0x3b: {  	_ = 	snop  }
0x3c: {  	p2 =	seq.s32 s10, $0x1;
	s10 =	sld [smem:$0x3FBA]  }
0x3d: {  	_ =	shalt  }
0x3e: {  	_ =	shalt  }
0x3f: {  	_ =	shalt  }
0x40: {  	_ =	shalt  }
0x41: {  	_ =	shalt  }
0x42: {  	_ =	shalt  }
0x43: {  	_ =	shalt  }
0x44: {  	_ =	shalt  }
0x45: {  	_ =	shalt  }
0x46: {  	_ =	shalt  }
0x47: {  	_ =	shalt  }
0x48: {  	_ =	shalt  }
0x49: {  	_ =	shalt  }
0x4a: {  	_ =	shalt  }
0x4b: {  	_ =	shalt  }
0x4c: {  	_ =	shalt  }
0x4d: {  	_ =	shalt  }
0x4e: {  	_ =	shalt  }
0x4f: {  	_ =	shalt  }
0x50: {  	_ =	shalt  }
0x51: {  	_ =	shalt  }
0x52: {  	_ =	shalt  }
0x53: {  	_ =	shalt  }
0x54: {  	_ =	shalt  }
0x55: {  	_ =	shalt  }
0x56: {  	_ =	shalt  }
0x57: {  	_ =	shalt  }
0x58: {  	_ =	shalt  }
0x59: {  	_ =	shalt  }
0x5a: {  	_ =	shalt  }
0x5b: {  	_ =	shalt  }
0x5c: {  	_ =	shalt  }
0x5d: {  	_ =	shalt  }
0x5e: {  	_ =	shalt  }
0x5f: {  	_ =	shalt  }
0x60: {  	_ =	shalt  }
0x61: {  	_ =	shalt  }
0x62: {  	_ =	shalt  }
0x63: {  	_ =	shalt  }
0x64: {  	_ =	shalt  }
0x65: {  	_ =	shalt  }
0x66: {  	_ =	shalt  }
0x67: {  	_ =	shalt  }
0x68: {  	_ =	shalt  }
0x69: {  	_ =	shalt  }
0x6a: {  	_ =	shalt  }
0x6b: {  	_ =	shalt  }
0x6c: {  	_ =	shalt  }
0x6d: {  	_ =	shalt  }
0x6e: {  	_ =	shalt  }
0x6f: {  	_ =	shalt  }
0x70: {  	_ =	shalt  }
0x71: {  	_ =	shalt  }
0x72: {  	_ =	shalt  }
0x73: {  	_ =	shalt  }
0x74: {  	_ =	shalt  }
0x75: {  	_ =	shalt  }
0x76: {  	_ =	shalt  }
0x77: {  	_ =	shalt  }
0x78: {  	_ =	shalt  }
0x79: {  	_ =	shalt  }
0x7a: {  	_ =	shalt  }
0x7b: {  	_ =	shalt  }
0x7c: {  	_ =	shalt  }
0x7d: {  	_ =	shalt  }
0x7e: {  	_ =	shalt  }
0x7f: {  	_ =	shalt  }
0x80: {  	_ =	shalt  }
0x81: {  	_ =	shalt  }
0x82: {  	_ =	shalt  }
0x83: {  	_ =	shalt  }
0x84: {  	_ =	shalt  }
0x85: {  	_ =	shalt  }
0x86: {  	_ =	shalt  }
0x87: {  	_ =	shalt  }
.Lfunc_end0:
.L_simem_size_0:
called_computation_lowered:
.L_overlay_start_0:
0x88: {  	s2 =	sld [smem:$0x3FD9]  }
0x89: {  	s3 =	sld [smem:$0x3FFE];
	_ =	sdelay $0x1  }
0x8a: {  	s1 =	srdreg.scid  }
0x8b: {  	s0 =	sand.u32 $0x1, s1  }
0x8c: {  	s17 =	sshll.u32 s0, $0xA;
	s2 =	sadd.s32 s3, s2  }
0x8d: {  	s2 =	sadd.s32 s2, s17  }
0x8e: {  	[smem:$0x3FC6] =	sst s2  }
0x8f: {  	_ = 	snop  }
0x90: {  	s2 =	sld [smem:$0x3FD0];
	(tm) =	ssettm $0x1  }
0x91: {  	s18 =	sld [smem:$0x3FFB];
	_ =	sdelay $0x3  }
0x92: {  	_ =	strace s18  }
0x93: {  	s3 =	sld [smem:$0x3FFC];
	_ =	sdelay $0x3  }
0x94: {  	_ =	strace s3  }
0x95: {  	s3 =	sld [smem:$0x3FFD];
	_ =	sdelay $0x3  }
0x96: {  	_ =	strace s3  }
0x97: {  	_ =	strace $0x8FFFFFFF  }
0x98: {  	s19 =	sld [smem:$0x3FDB];
	_ =	sdelay $0x1  }
0x99: {  	s4 =	simm.s32 $_scs_section_size  }
0x9a: {  	s5 =	simm.s32 $_size__tile_overlayer_lowered;
	s6 =	simm.s32 $_tile_overlayer_lowered  }
0x9b: {  	s22 =	simm.s32 $0x1BFF;
	s21 =	sshll.u32 s6, $0x1;
	s3 =	sadd.s32 s4, s19  }
0x9c: {  	s7 =	simm.s32 $0x0;
	s20 =	sshll.u32 s5, $0x1;
	s5 =	sadd.s32 s21, s3  }
0x9d: {  	[timem:s7], [sflag:s22] =	dma.local [hbm:s5], s20  }
0x9e: {  	_ =	swait.ge [sflag:s22], s20  }
0x9f: {  	s4 =	ssub.s32 $0x0, s20;
	[sflag:s22] =	ssyncset.done $0x0  }
0xa0: {  	[sflag:s22] =	ssyncadd.s32 s4;
	_ =	sdelay $0x1  }
0xa1: {  	s23 =	simm.s32 $0x1B8B  }
0xa2: {  	_ =	swait.ge [sflag:s23], $0x1  }
0xa3: {  	[sflag:s23] =	ssyncset.done $0x0  }
0xa4: {  	s25 =	simm.s32 $0x1B8E;
	s24 =	sld [smem:$0x3FFE];
	[sflag:s23] =	ssyncadd.s32 $0xFFFFFFFF  }
0xa5: {  	s26 =	simm.s32 $execute0_lowered;
	[smem:$0x3FD2] =	sst s25  }
0xa6: {  	s5 =	sshll.u32 s26, $0x1;
	_ =	strace $0x80000046;
	[dreg:$0x1] =	wrdreg $0xFFFFFFFF  }
0xa7: {  	s28 =	simm.s32 $_size_execute0_lowered;
	s3 =	sadd.s32 s3, s5;
	[dreg:$0x0] =	wrdreg $0x0  }
0xa8: {  	s5 =	sshll.u32 s28, $0x1;
	[dreg:$0x2] =	wrdreg s3  }
0xa9: {  	[dreg:$0x3] =	wrdreg s5  }
0xaa: {  	[dreg:$0x4] =	wrdreg $0xC0  }
0xab: {  	_ =	task [dreg:s7], $0x5FFFF  }
0xac: {  	[dreg:$0x1] =	wrdreg $0xFFFFFFFF  }
0xad: {  	[dreg:$0x0] =	wrdreg $0x60  }
0xae: {  	[dreg:$0x2] =	wrdreg s24  }
0xaf: {  	[dreg:$0x3] =	wrdreg s2  }
0xb0: {  	[dreg:$0x4] =	wrdreg $0x9  }
0xb1: {  	_ =	task.clear_ibuf [dreg:s7], $0x5FFFF;
	_ =	strace $0x90000046  }
0xb2: {  	s29 =	simm.s32 $0x9;
	_ =	strace $0x80000048  }
0xb3: {  	_ =	swait.ge [sflag:s29], $0x1  }
0xb4: {  	[sflag:s29] =	ssyncadd.s32 $0xFFFFFFFF  }
0xb5: {  	_ =	strace $0x90000048  }
0xb6: {  	_ =	sfence  }
0xb7: {  	s30 =	sld [smem:$0x0];
	_ =	sdelay $0x2  }
0xb8: {  	s31 =	sshll.u32 s1, $0xD;
	s1 =	sshrl.u32 s1, $0x2  }
0xb9: {  	s3 =	sand.u32 $0x4000, s31;
	s1 =	sadd.s32 s1, s30  }
0xba: {  	s0 =	sor.u32 s3, s0;
	s1 =	sshll.u32 s1, $0x11  }
0xbb: {  	s0 =	sor.u32 s1, s0  }
0xbc: {  	s0 =	sadd.s32 $0x8F2B, s0  }
0xbd: {  	[sflag:s0] =	ssyncadd.remote.s32 $0x1  }
0xbe: {  	_ =	sfence.sel $0xFFFF  }
0xbf: {  	[dreg:$0x0] =	wrdreg $0xFFFFFFFF;
	(pc) =	sbr.abs _section_cstart, $3  }
0xc0: {  	[dreg:$0x1] =	wrdreg $0xFFFFFFFF  }
0xc1: {  	_ =	task.clear_ibuf [dreg:s7], $0x2FFFF;
	_ =	strace $0x9FFFFFFF  }
0xc2: {  	(tm) =	ssettm $0x7FFFFFFF  }
0xc3: {  	_ =	shalt  }
tec
execute0_lowered:
.L_overlay_start_1:
0x0: {  	(tag) =	ssettag $0x1  }
0x1: {  	s0 =	rddreg [dreg:$0x0]  }
0x2: {  	s1 =	rddreg [dreg:$0x1];
	s2 =	simm.s32 $0x0;
	s3 =	srdreg.scid  }
0x3: {  	s5 =	stileid.u32;
	s8 =	simm.s32 $0x2;
	s9 =	simm.s32 $0x80  }
0x4: {  	s10 =	simm.s32 $0x500;
	s11 =	simm.s32 $0x1500;
	s12 =	simm.s32 $0x100  }
0x5: {  	s13 =	simm.s32 $0x2500;
	s14 =	simm.s32 $0x180;
	s15 =	simm.s32 $0x3500  }
0x6: {  	s16 =	simm.s32 $0x200;
	s17 =	simm.s32 $0x4500;
	s18 =	simm.s32 $0x280  }
0x7: {  	s19 =	simm.s32 $0x5500;
	s20 =	simm.s32 $0x300;
	s21 =	simm.s32 $0x6500  }
0x8: {  	s22 =	simm.s32 $0x380;
	s23 =	simm.s32 $0x7500;
	s24 =	simm.s32 $0x400  }
0x9: {  	s25 =	simm.s32 $0x8500;
	s26 =	simm.s32 $0x480;
	s28 =	simm.s32 $0x9500  }
0xa: {  	s29 =	simm.s32 $0x1;
	s30 =	simm.s32 $0xA500;
	s4 =	sand.u32 $0x1, s3  }
0xb: {  	[smem:$0x7FF] =	sst s2;
	s5 =	sshll.u32 s5, $0x1;
	s6 =	ssub.s32 $0x2, s4  }
0xc: {  	s3 =	sadd.s32 $0x400, s0;
	_ =	strace $0x80000047;
	s31 =	sshrl.u32 s6, $0x1  }
0xd: {  	s5 =	sor.u32 s4, s5;
	s4 =	sadd.s32 $0xA400, s0;
	s0 =	ssub.s32 s6, s31  }
0xe: {  	s7 =	sshll.u32 s5, $0xB;
	s5 =	smul.u32 $0x2800, s5;
	s0 =	smax.u32 s0, $0x1  }
0xf: {  	s6 =	sadd.s32 s1, s7;
	s1 =	simm.s32 $0x0;
	[dreg:$0x3] =	wrdreg s0  }
.LBB2_1:
0x10: {  	[dreg:$0x4] =	wrdreg s1;
	s0 =	simm.s32 $0x0  }
.LBB2_2:
0x11: {  	s1 =	smul.u32 $0x500, s0;
	_ =	sdelay $0x1  }
0x12: {  	s1 =	sadd.s32 s5, s1  }
0x13: {  	s1 =	sshrl.u32 s1, $0x3  }
0x14: {  	s7 =	simm.s32 $0x0;
	s1 =	sadd.s32 s3, s1  }
0x15: {  	[tilespmem:s7], [sflag:$0x2] =	stream.linear.gather [hbm4b:s1+s7], $0x500, $0x38;
	[tilespmem:$0xAD00] =	vst v63  }
0x16: {  	_ =	swait.ge [sflag:s8], $0x500  }
0x17: {  	[sflag:s8] =	ssyncset.done $0x0  }
0x18: {  	[sflag:s8] =	ssyncadd.s32 $0xFFFFFB00  }
0x19: {  	[tilespmem:s10], [sflag:$0x1] =	stream.indirect.gather [hbm4b:s4+s9], $0x20, s7, s9, $0xb8;
	[tilespmem:$0xAD00] =	vst v63  }
0x1a: {  	_ = 	snop  }
0x1b: {  	[tilespmem:s11], [sflag:$0x1] =	stream.indirect.gather [hbm4b:s4+s9], $0x20, s9, s9, $0xb8;
	[tilespmem:$0xAD00] =	vst v63  }
0x1c: {  	_ = 	snop  }
0x1d: {  	[tilespmem:s13], [sflag:$0x1] =	stream.indirect.gather [hbm4b:s4+s9], $0x20, s12, s9, $0xb8;
	[tilespmem:$0xAD00] =	vst v63  }
0x1e: {  	_ = 	snop  }
0x1f: {  	[tilespmem:s15], [sflag:$0x1] =	stream.indirect.gather [hbm4b:s4+s9], $0x20, s14, s9, $0xb8;
	[tilespmem:$0xAD00] =	vst v63  }
0x20: {  	_ = 	snop  }
0x21: {  	[tilespmem:s17], [sflag:$0x1] =	stream.indirect.gather [hbm4b:s4+s9], $0x20, s16, s9, $0xb8;
	[tilespmem:$0xAD00] =	vst v63  }
0x22: {  	_ = 	snop  }
0x23: {  	[tilespmem:s19], [sflag:$0x1] =	stream.indirect.gather [hbm4b:s4+s9], $0x20, s18, s9, $0xb8;
	[tilespmem:$0xAD00] =	vst v63  }
0x24: {  	_ = 	snop  }
0x25: {  	[tilespmem:s21], [sflag:$0x1] =	stream.indirect.gather [hbm4b:s4+s9], $0x20, s20, s9, $0xb8;
	[tilespmem:$0xAD00] =	vst v63  }
0x26: {  	_ = 	snop  }
0x27: {  	[tilespmem:s23], [sflag:$0x1] =	stream.indirect.gather [hbm4b:s4+s9], $0x20, s22, s9, $0xb8;
	[tilespmem:$0xAD00] =	vst v63  }
0x28: {  	_ = 	snop  }
0x29: {  	[tilespmem:s25], [sflag:$0x1] =	stream.indirect.gather [hbm4b:s4+s9], $0x20, s24, s9, $0xb8;
	[tilespmem:$0xAD00] =	vst v63  }
0x2a: {  	_ = 	snop  }
0x2b: {  	[tilespmem:s28], [sflag:$0x1] =	stream.indirect.gather [hbm4b:s4+s9], $0x20, s26, s9, $0xb8;
	[tilespmem:$0xAD00] =	vst v63  }
0x2c: {  	_ =	swait.ge [sflag:s29], $0x1000  }
0x2d: {  	[sflag:s29] =	ssyncset.done $0x0  }
0x2e: {  	[sflag:s29] =	ssyncadd.s32 $0xFFFFF000  }
0x2f: {  	_ =	swait.ge [sflag:s29], $0x1000  }
0x30: {  	[sflag:s29] =	ssyncset.done $0x0  }
0x31: {  	[sflag:s29] =	ssyncadd.s32 $0xFFFFF000  }
0x32: {  	_ =	swait.ge [sflag:s29], $0x1000  }
0x33: {  	[sflag:s29] =	ssyncset.done $0x0  }
0x34: {  	[sflag:s29] =	ssyncadd.s32 $0xFFFFF000  }
0x35: {  	_ =	swait.ge [sflag:s29], $0x1000  }
0x36: {  	[sflag:s29] =	ssyncset.done $0x0  }
0x37: {  	[sflag:s29] =	ssyncadd.s32 $0xFFFFF000  }
0x38: {  	_ =	swait.ge [sflag:s29], $0x1000  }
0x39: {  	[sflag:s29] =	ssyncset.done $0x0  }
0x3a: {  	[sflag:s29] =	ssyncadd.s32 $0xFFFFF000  }
0x3b: {  	_ =	swait.ge [sflag:s29], $0x1000  }
0x3c: {  	[sflag:s29] =	ssyncset.done $0x0  }
0x3d: {  	[sflag:s29] =	ssyncadd.s32 $0xFFFFF000  }
0x3e: {  	_ =	swait.ge [sflag:s29], $0x1000  }
0x3f: {  	[sflag:s29] =	ssyncset.done $0x0  }
0x40: {  	[sflag:s29] =	ssyncadd.s32 $0xFFFFF000  }
0x41: {  	_ =	swait.ge [sflag:s29], $0x1000  }
0x42: {  	[sflag:s29] =	ssyncset.done $0x0  }
0x43: {  	[sflag:s29] =	ssyncadd.s32 $0xFFFFF000  }
0x44: {  	_ =	swait.ge [sflag:s29], $0x1000  }
0x45: {  	[sflag:s29] =	ssyncset.done $0x0  }
0x46: {  	[sflag:s29] =	ssyncadd.s32 $0xFFFFF000  }
0x47: {  	_ =	swait.ge [sflag:s29], $0x1000  }
0x48: {  	[sflag:s29] =	ssyncset.done $0x0  }
0x49: {  	s1 =	simm.s32 $0x640;
	[sflag:s29] =	ssyncadd.s32 $0xFFFFF000  }
0x4a: {  	v0 =	vld [tilespmem:s1+$0xFFFFFEF0]  }
0x4b: {  	v1 =	vld [tilespmem:s1+$0xFFFFFEC0]  }
0x4c: {  	v2 =	vld [tilespmem:s1+$0xFFFFFEE0]  }
0x4d: {  	v3 =	vld [tilespmem:s1+$0xFFFFFED0]  }
0x4e: {  	v4 =	vld [tilespmem:s1+$0xFFFFFF00]  }
0x4f: {  	v5 =	vld [tilespmem:s1+$0xFFFFFF10]  }
0x50: {  	v6 =	vld [tilespmem:s1+$0xFFFFFF20]  }
0x51: {  	v7 =	vld [tilespmem:s1+$0xFFFFFF40];
	v1 =	vadd.f32 v2, v1  }
0x52: {  	v2 =	vld [tilespmem:s1+$0xFFFFFF30]  }
0x53: {  	v44 =	vld [tilespmem:s1+$0xFFFFFF60];
	v0 =	vadd.f32 v0, v3;
	v1 =	vadd.f32 v4, v1  }
0x54: {  	v3 =	vld [tilespmem:s1+$0xFFFFFF50]  }
0x55: {  	v45 =	vld [tilespmem:s1+$0xFFFFFF70];
	v0 =	vadd.f32 v5, v0;
	v1 =	vadd.f32 v6, v1  }
0x56: {  	v46 =	vld [tilespmem:s1+$0xFFFFFF80]  }
0x57: {  	v47 =	vld [tilespmem:s1+$0xFFFFFFA0];
	v0 =	vadd.f32 v2, v0;
	v1 =	vadd.f32 v7, v1  }
0x58: {  	v2 =	vld [tilespmem:s1+$0xFFFFFF90]  }
0x59: {  	v48 =	vld [tilespmem:s1+$0xFFFFFFC0];
	v0 =	vadd.f32 v3, v0;
	v1 =	vadd.f32 v44, v1  }
0x5a: {  	v3 =	vld [tilespmem:s1+$0xFFFFFFB0]  }
0x5b: {  	v49 =	vld [tilespmem:s1+$0xFFFFFFD0];
	v0 =	vadd.f32 v45, v0;
	v1 =	vadd.f32 v46, v1  }
0x5c: {  	v50 =	vld [tilespmem:s1+$0xFFFFFFE0]  }
0x5d: {  	v51 =	vld [tilespmem:s1+$0x0];
	v0 =	vadd.f32 v2, v0;
	v1 =	vadd.f32 v47, v1  }
0x5e: {  	v2 =	vld [tilespmem:s1+$0xFFFFFFF0]  }
0x5f: {  	v52 =	vld [tilespmem:s1+$0x20];
	v0 =	vadd.f32 v3, v0;
	v1 =	vadd.f32 v48, v1  }
0x60: {  	v3 =	vld [tilespmem:s1+$0x10]  }
0x61: {  	v53 =	vld [tilespmem:s1+$0x30];
	v0 =	vadd.f32 v49, v0;
	v1 =	vadd.f32 v50, v1  }
0x62: {  	v54 =	vld [tilespmem:s1+$0x40]  }
0x63: {  	v55 =	vld [tilespmem:s1+$0x60];
	v0 =	vadd.f32 v2, v0;
	v1 =	vadd.f32 v51, v1  }
0x64: {  	v2 =	vld [tilespmem:s1+$0x50]  }
0x65: {  	v56 =	vld [tilespmem:s1+$0x80];
	v0 =	vadd.f32 v3, v0;
	v1 =	vadd.f32 v52, v1  }
0x66: {  	v3 =	vld [tilespmem:s1+$0x70]  }
0x67: {  	v57 =	vld [tilespmem:s1+$0x90];
	v0 =	vadd.f32 v53, v0;
	v1 =	vadd.f32 v54, v1  }
0x68: {  	v58 =	vld [tilespmem:s1+$0xA0]  }
0x69: {  	v59 =	vld [tilespmem:s1+$0xC0];
	v0 =	vadd.f32 v2, v0;
	v1 =	vadd.f32 v55, v1  }
0x6a: {  	v2 =	vld [tilespmem:s1+$0xB0]  }
0x6b: {  	v60 =	vld [tilespmem:s1+$0xE0];
	v0 =	vadd.f32 v3, v0;
	v1 =	vadd.f32 v56, v1  }
0x6c: {  	v3 =	vld [tilespmem:s1+$0xD0]  }
0x6d: {  	v61 =	vld [tilespmem:s1+$0xF0];
	v0 =	vadd.f32 v57, v0;
	v1 =	vadd.f32 v58, v1  }
0x6e: {  	v62 =	vld [tilespmem:s1+$0x100]  }
0x6f: {  	v63 =	vld [tilespmem:s1+$0x120];
	v0 =	vadd.f32 v2, v0;
	v1 =	vadd.f32 v59, v1  }
0x70: {  	v2 =	vld [tilespmem:s1+$0x110]  }
0x71: {  	v0 =	vadd.f32 v3, v0;
	v1 =	vadd.f32 v60, v1  }
0x72: {  	v3 =	vld [tilespmem:s1+$0x130]  }
0x73: {  	v0 =	vadd.f32 v61, v0;
	v1 =	vadd.f32 v62, v1;
	_ =	sdelay $0x1  }
0x74: {  	v0 =	vadd.f32 v2, v0;
	v1 =	vadd.f32 v63, v1;
	_ =	sdelay $0x1  }
0x75: {  	v0 =	vadd.f32 v3, v0;
	v1 =	vmul.f32 $5.000000070e-02, v1  }
0x76: {  	s31 =	simm.s32 $0x0  }
0x77: {  	s7 =	simm.s32 $0x80;
	v0 =	vmul.f32 $5.000000070e-02, v0;
	[tilespmem:s31+$0xA500] =	vst v1  }
.LBB2_3:
0x78: {  	p0 =	sne.s32 s7, $0x1F80  }
0x79: {  	[tilespmem:s31+$0xA510] =	vst v0;
	s1 =	sadd.s32 $0x280, s1;
	s31 =	smov.u32 s7;
	s7 =	sadd.s32 $0x80, s7  }
0x7a: {  	v0 =	vld [tilespmem:s1+$0xFFFFFEF0]  }
0x7b: {  	v1 =	vld [tilespmem:s1+$0xFFFFFEC0]  }
0x7c: {  	v2 =	vld [tilespmem:s1+$0xFFFFFEE0]  }
0x7d: {  	v3 =	vld [tilespmem:s1+$0xFFFFFED0]  }
0x7e: {  	v4 =	vld [tilespmem:s1+$0xFFFFFF00]  }
0x7f: {  	v5 =	vld [tilespmem:s1+$0xFFFFFF10]  }
0x80: {  	v6 =	vld [tilespmem:s1+$0xFFFFFF20]  }
0x81: {  	v1 =	vadd.f32 v2, v1;
	v2 =	vld [tilespmem:s1+$0xFFFFFF30]  }
0x82: {  	v0 =	vadd.f32 v0, v3;
	v3 =	vld [tilespmem:s1+$0xFFFFFF40]  }
0x83: {  	v1 =	vadd.f32 v4, v1;
	v4 =	vld [tilespmem:s1+$0xFFFFFF50]  }
0x84: {  	v0 =	vadd.f32 v5, v0;
	v5 =	vld [tilespmem:s1+$0xFFFFFF60]  }
0x85: {  	v1 =	vadd.f32 v6, v1;
	v6 =	vld [tilespmem:s1+$0xFFFFFF70]  }
0x86: {  	v0 =	vadd.f32 v2, v0;
	v2 =	vld [tilespmem:s1+$0xFFFFFF80]  }
0x87: {  	v1 =	vadd.f32 v3, v1;
	v3 =	vld [tilespmem:s1+$0xFFFFFF90]  }
0x88: {  	v0 =	vadd.f32 v4, v0;
	v4 =	vld [tilespmem:s1+$0xFFFFFFA0]  }
0x89: {  	v1 =	vadd.f32 v5, v1;
	v5 =	vld [tilespmem:s1+$0xFFFFFFB0]  }
0x8a: {  	v0 =	vadd.f32 v6, v0;
	v6 =	vld [tilespmem:s1+$0xFFFFFFC0]  }
0x8b: {  	v1 =	vadd.f32 v2, v1;
	v2 =	vld [tilespmem:s1+$0xFFFFFFD0]  }
0x8c: {  	v0 =	vadd.f32 v3, v0;
	v3 =	vld [tilespmem:s1+$0xFFFFFFE0]  }
0x8d: {  	v1 =	vadd.f32 v4, v1;
	v4 =	vld [tilespmem:s1+$0xFFFFFFF0]  }
0x8e: {  	v0 =	vadd.f32 v5, v0;
	v5 =	vld [tilespmem:s1+$0x0]  }
0x8f: {  	v1 =	vadd.f32 v6, v1;
	v6 =	vld [tilespmem:s1+$0x10]  }
0x90: {  	v0 =	vadd.f32 v2, v0;
	v2 =	vld [tilespmem:s1+$0x20]  }
0x91: {  	v1 =	vadd.f32 v3, v1;
	v3 =	vld [tilespmem:s1+$0x30]  }
0x92: {  	v0 =	vadd.f32 v4, v0;
	v4 =	vld [tilespmem:s1+$0x40]  }
0x93: {  	v1 =	vadd.f32 v5, v1;
	v5 =	vld [tilespmem:s1+$0x50]  }
0x94: {  	v0 =	vadd.f32 v6, v0;
	v6 =	vld [tilespmem:s1+$0x60]  }
0x95: {  	v1 =	vadd.f32 v2, v1;
	v2 =	vld [tilespmem:s1+$0x70]  }
0x96: {  	v0 =	vadd.f32 v3, v0;
	v3 =	vld [tilespmem:s1+$0x80]  }
0x97: {  	v1 =	vadd.f32 v4, v1;
	v4 =	vld [tilespmem:s1+$0x90]  }
0x98: {  	v0 =	vadd.f32 v5, v0;
	v5 =	vld [tilespmem:s1+$0xA0]  }
0x99: {  	v1 =	vadd.f32 v6, v1;
	v6 =	vld [tilespmem:s1+$0xB0]  }
0x9a: {  	v0 =	vadd.f32 v2, v0;
	v2 =	vld [tilespmem:s1+$0xC0]  }
0x9b: {  	v1 =	vadd.f32 v3, v1;
	v3 =	vld [tilespmem:s1+$0xD0]  }
0x9c: {  	v0 =	vadd.f32 v4, v0;
	v4 =	vld [tilespmem:s1+$0xE0]  }
0x9d: {  	v1 =	vadd.f32 v5, v1;
	v5 =	vld [tilespmem:s1+$0xF0]  }
0x9e: {  	v0 =	vadd.f32 v6, v0;
	v6 =	vld [tilespmem:s1+$0x100]  }
0x9f: {  	v1 =	vadd.f32 v2, v1;
	v2 =	vld [tilespmem:s1+$0x110]  }
0xa0: {  	v0 =	vadd.f32 v3, v0;
	v3 =	vld [tilespmem:s1+$0x120]  }
0xa1: {  	v1 =	vadd.f32 v4, v1;
	v4 =	vld [tilespmem:s1+$0x130]  }
0xa2: {  	v0 =	vadd.f32 v5, v0  }
0xa3: {  	v1 =	vadd.f32 v6, v1  }
0xa4: {  	v0 =	vadd.f32 v2, v0  }
.Ltmp0:
0xa5: {  	v1 =	vadd.f32 v3, v1;
	(pc) =	sbr.rel @p0 .LBB2_3-.Ltmp0, $4  }
0xa6: {  	v0 =	vadd.f32 v4, v0  }
0xa7: {  	v1 =	vmul.f32 $5.000000070e-02, v1  }
0xa8: {  	s31 =	sshra.s32 s31, $0x2;
	v0 =	vmul.f32 $5.000000070e-02, v0  }
0xa9: {  	[tilespmem:s31+$0xA500] =	vst v1  }
0xaa: {  	s1 =	sshll.u32 s0, $0x8;
	s0 =	sadd.s32 $0x1, s0  }
0xab: {  	p0 =	sne.s32 s0, $0x8  }
.Ltmp1:
0xac: {  	[tilespmem:s31+$0xA510] =	vst v0;
	s1 =	sadd.s32 s1, s6;
	(pc) =	sbr.rel @p0 .LBB2_2-.Ltmp1, $4  }
0xad: {  	[hbm4b:s1+s2] =	stream.linear.scatter [tilespmem:s30], [sflag:$0x2], $0x800, $0x38;
	[tilespmem:$0xAD00] =	vst v63  }
0xae: {  	_ =	swait.ge [sflag:s8], $0x800  }
0xaf: {  	[sflag:s8] =	ssyncset.done $0x0  }
0xb0: {  	[sflag:s8] =	ssyncadd.s32 $0xFFFFF800  }
0xb1: {  	s1 =	rddreg [dreg:$0x4]  }
0xb2: {  	s0 =	rddreg [dreg:$0x3];
	s1 =	sadd.s32 $0x1, s1  }
0xb3: {  	p0 =	sne.s32 s1, s0  }
.Ltmp2:
0xb4: {  	_ = 	snop;
	(pc) =	sbr.rel @p0 .LBB2_1-.Ltmp2, $1  }
0xb5: {  	_ =	sdelay $0x3  }
0xb6: {  	_ =	sfence.sel $0x180000  }
0xb7: {  	[bflag:$0x0] =	sbarrier.arrive $0xFFFF  }
0xb8: {  	_ =	strace $0x90000047  }
0xb9: {  	s0 =	stileid.u32;
	[bflag:$0x2] =	sbarrier.arrive $0xFFFF  }
0xba: {  	p0 =	sne.s32 s0, $0x0;
	s0 =	rddreg [dreg:$0x2]  }
0xbb: {  	s0 =	sadd.s32 @!p0 $0x100000, s0  }
0xbc: {  	[sflag:s0] =	ssyncadd.tile.s32 @!p0 $0x1;
	_ =	shalt  }
.Lfunc_end2:
_tile_overlayer_lowered:
.L_overlay_start_2:
0xbd: {  	(tag) =	ssettag $0x2  }
0xbe: {  	s0 =	rddreg [dreg:$0x0];
	s2 =	stileid.u32  }
0xbf: {  	s1 =	rddreg [dreg:$0x1];
	p0 =	sne.s32 s2, $0x0  }
0xc0: {  	s3 =	rddreg [dreg:$0x2];
	[bflag:$0x3] =	sbarrier.arrive $0xFFFF;
	s2 =	simm.s32 @!p0 $0x1C02  }
0xc1: {  	[timem:s3], [sflag:s2] =	dma.local @!p0 [hbm:s0], s1  }
0xc2: {  	s0 =	simm.s32 @!p0 $0x2  }
0xc3: {  	_ =	swait.ge @!p0 [sflag:s0], s1  }
0xc4: {  	s1 =	ssub.s32 @!p0 $0x0, s1;
	[sflag:s0] =	ssyncset.done @!p0 $0x0  }
0xc5: {  	[sflag:s0] =	ssyncadd.s32 @!p0 s1  }
0xc6: {  	[bflag:$0x3] =	sbarrier.arrive $0xFFFF  }
0xc7: {  	_ =	shalt  }

</sc_bundles>
